<compile_context>
chip_gen: v7x
topology: tpu7x:2x2x1
jax: 0.10.2.dev20260603
libtpu: 0.0.44.dev20260713+nightly
codegen_flags: <defaults>
</compile_context>

<pallas_src>
import functools

import jax
import jax.numpy as jnp
from jax import lax
from jax.experimental import pallas as pl
from jax.experimental.pallas import tpu as pltpu
from jax.experimental.pallas import tpu_sc as plsc

H, W = 300, 400
G = H * W
DUMP = G
GP = 120064
SEG = 7552
GS = 16 * SEG
NPTS = 1048576
NW = 32
PPW = NPTS // NW

CHS = 8192
NCHS = PPW // CHS
NRS = CHS // 128

CHM = 1024
NCHM = PPW // CHM

X0, X1 = -20.0, 20.0
Y0, Y1 = -10.0, 30.0
Z0, Z1 = -3.0, 4.0
RES = 0.1
MAX_INTENSITY = 255.0
N_MAX = 128.0

_MESH = dict(core_axis_name="c", subcore_axis_name="s")
_PARAMS = pltpu.CompilerParams(needs_layout_passes=False)


def _bin_index(x, y):
    mask = (x >= X0) & (x < X1) & (y >= Y0) & (y < Y1)
    px = jnp.clip(((x - X0) / RES).astype(jnp.int32), 0, W - 1)
    py = jnp.clip(((y - Y0) / RES).astype(jnp.int32), 0, H - 1)
    return jnp.where(mask, py * W + px, DUMP)


def _ids():
    cid = lax.axis_index("c")
    sid = lax.axis_index("s")
    wid = sid * 2 + cid
    return cid, sid, wid


def _sum_body(xs, ys, ws, sumout,
              xa, ya, wa, ia, xb, yb, wb, ib, onesb, zstage, sh_i, sh_c,
              sem_a, sem_b, ssem_a, ssem_b):
    cid, sid, wid = _ids()
    base = wid * PPW
    zeros16 = jnp.zeros((16,), jnp.float32)
    ones16 = jnp.full((16,), 1.0, jnp.float32)

    def z_init(i, c):
        for u in range(8):
            zstage[pl.ds(i * 128 + u * 16, 16)] = zeros16
        return c

    lax.fori_loop(0, SEG // 128, z_init, 0)
    pltpu.sync_copy(zstage, sh_i.at[pl.ds(sid * SEG, SEG)])
    pltpu.sync_copy(zstage, sh_c.at[pl.ds(sid * SEG, SEG)])
    plsc.subcore_barrier()

    for j in range(128 // 16):
        onesb[pl.ds(j * 16, 16)] = ones16

    def start_in(c, xd, yd, wd, sem):
        b = base + c * CHS
        pltpu.async_copy(xs.at[pl.ds(b, CHS)], xd, sem)
        pltpu.async_copy(ys.at[pl.ds(b, CHS)], yd, sem)
        pltpu.async_copy(ws.at[pl.ds(b, CHS)], wd, sem)

    def wait_in(xd, yd, wd, sem):
        pltpu.make_async_copy(xs.at[pl.ds(0, CHS)], xd, sem).wait()
        pltpu.make_async_copy(ys.at[pl.ds(0, CHS)], yd, sem).wait()
        pltpu.make_async_copy(ws.at[pl.ds(0, CHS)], wd, sem).wait()

    def compute(xd, yd, idxd):
        def vec_body(v, vc):
            x = xd[pl.ds(v * 16, 16)]
            y = yd[pl.ds(v * 16, 16)]
            flat = _bin_index(x, y)
            idxd[v // 8, pl.ds((v % 8) * 16, 16)] = flat
            return vc

        lax.fori_loop(0, CHS // 16, vec_body, 0)

    def fire(idxd, wd, ssem):
        def srow(r, c):
            pltpu.async_copy(wd.at[pl.ds(r * 128, 128)],
                             sh_i.at[idxd.at[r]], ssem, add=True)
            pltpu.async_copy(onesb, sh_c.at[idxd.at[r]], ssem, add=True)
            return c

        lax.fori_loop(0, NRS, srow, 0)

    def drain(idxd, wd, ssem):
        def drow(r, c):
            pltpu.make_async_copy(wd.at[pl.ds(r * 128, 128)],
                                  sh_i.at[idxd.at[r]], ssem).wait()
            pltpu.make_async_copy(onesb, sh_c.at[idxd.at[r]], ssem).wait()
            return c

        lax.fori_loop(0, NRS, drow, 0)

    start_in(0, xa, ya, wa, sem_a)

    def pair(q, c):
        c0 = 2 * q
        wait_in(xa, ya, wa, sem_a)
        compute(xa, ya, ia)

        @pl.when(q > 0)
        def _():
            drain(ib, wb, ssem_b)

        start_in(c0 + 1, xb, yb, wb, sem_b)
        fire(ia, wa, ssem_a)
        wait_in(xb, yb, wb, sem_b)
        compute(xb, yb, ib)
        drain(ia, wa, ssem_a)
        start_in(jnp.minimum(c0 + 2, NCHS - 1), xa, ya, wa, sem_a)
        fire(ib, wb, ssem_b)
        return c

    lax.fori_loop(0, NCHS // 2, pair, 0)
    wait_in(xa, ya, wa, sem_a)
    drain(ib, wb, ssem_b)

    plsc.subcore_barrier()
    pltpu.sync_copy(sh_i.at[pl.ds(sid * SEG, SEG)],
                    sumout.at[pl.ds((cid * 2 + 0) * GS + sid * SEG, SEG)])
    pltpu.sync_copy(sh_c.at[pl.ds(sid * SEG, SEG)],
                    sumout.at[pl.ds((cid * 2 + 1) * GS + sid * SEG, SEG)])


def _max_body(xs, ys, zs, maxout,
              xa, ya, za, xb, yb, zb, grid, sem_a, sem_b):
    cid, sid, wid = _ids()
    base = wid * PPW
    ninf16 = jnp.full((16,), -jnp.inf, jnp.float32)

    def g_init(i, c):
        for u in range(8):
            grid[pl.ds(i * 128 + u * 16, 16)] = ninf16
        return c

    lax.fori_loop(0, GP // 128, g_init, 0)

    lane = lax.iota(jnp.int32, 16)
    shift_idx = [jnp.maximum(lane - d, 0) for d in (1, 2, 4, 8)]
    next_idx = jnp.minimum(lane + 1, 15)
    is_hi = lane == 15

    def start_in(c, xd, yd, zd, sem):
        b = base + c * CHM
        pltpu.async_copy(xs.at[pl.ds(b, CHM)], xd, sem)
        pltpu.async_copy(ys.at[pl.ds(b, CHM)], yd, sem)
        pltpu.async_copy(zs.at[pl.ds(b, CHM)], zd, sem)

    def wait_in(xd, yd, zd, sem):
        pltpu.make_async_copy(xs.at[pl.ds(0, CHM)], xd, sem).wait()
        pltpu.make_async_copy(ys.at[pl.ds(0, CHM)], yd, sem).wait()
        pltpu.make_async_copy(zs.at[pl.ds(0, CHM)], zd, sem).wait()

    def compute(xd, yd, zd):
        def vec_body(v, vc):
            x = xd[pl.ds(v * 16, 16)]
            y = yd[pl.ds(v * 16, 16)]
            z = zd[pl.ds(v * 16, 16)]
            flat = _bin_index(x, y)

            k, zv = plsc.sort_key_val(flat, z)
            for idxd in shift_idx:
                kshift = jnp.take_along_axis(k, idxd, axis=0)
                zshift = jnp.take_along_axis(zv, idxd, axis=0)
                zv = jnp.where(kshift == k, jnp.maximum(zv, zshift), zv)
            kn = jnp.take_along_axis(k, next_idx, axis=0)
            last = (kn != k) | is_hi
            cur = plsc.load_gather(grid, [k])
            plsc.store_scatter(grid, [k], jnp.maximum(cur, zv), mask=last)
            return vc

        lax.fori_loop(0, CHM // 16, vec_body, 0)

    start_in(0, xa, ya, za, sem_a)

    def pair(q, c):
        c0 = 2 * q
        start_in(c0 + 1, xb, yb, zb, sem_b)
        wait_in(xa, ya, za, sem_a)
        compute(xa, ya, za)
        start_in(jnp.minimum(c0 + 2, NCHM - 1), xa, ya, za, sem_a)
        wait_in(xb, yb, zb, sem_b)
        compute(xb, yb, zb)
        return c

    lax.fori_loop(0, NCHM // 2, pair, 0)
    wait_in(xa, ya, za, sem_a)
    pltpu.sync_copy(grid, maxout.at[pl.ds(wid * GP, GP)])


def _sc_sums(xs, ys, ws):
    run = functools.partial(
        pl.kernel,
        mesh=plsc.VectorSubcoreMesh(**_MESH),
        compiler_params=_PARAMS,
        out_type=jax.ShapeDtypeStruct((4 * GS,), jnp.float32),
        scratch_types=[
            pltpu.VMEM((CHS,), jnp.float32),
            pltpu.VMEM((CHS,), jnp.float32),
            pltpu.VMEM((CHS,), jnp.float32),
            pltpu.VMEM((NRS, 128), jnp.int32),
            pltpu.VMEM((CHS,), jnp.float32),
            pltpu.VMEM((CHS,), jnp.float32),
            pltpu.VMEM((CHS,), jnp.float32),
            pltpu.VMEM((NRS, 128), jnp.int32),
            pltpu.VMEM((128,), jnp.float32),
            pltpu.VMEM((SEG,), jnp.float32),
            pltpu.VMEM_SHARED((GS,), jnp.float32),
            pltpu.VMEM_SHARED((GS,), jnp.float32),
            pltpu.SemaphoreType.DMA,
            pltpu.SemaphoreType.DMA,
            pltpu.SemaphoreType.DMA,
            pltpu.SemaphoreType.DMA,
        ],
    )(_sum_body)
    return run(xs, ys, ws)


def _sc_max(xs, ys, zs):
    run = functools.partial(
        pl.kernel,
        mesh=plsc.VectorSubcoreMesh(**_MESH),
        compiler_params=_PARAMS,
        out_type=jax.ShapeDtypeStruct((NW * GP,), jnp.float32),
        scratch_types=[
            pltpu.VMEM((CHM,), jnp.float32),
            pltpu.VMEM((CHM,), jnp.float32),
            pltpu.VMEM((CHM,), jnp.float32),
            pltpu.VMEM((CHM,), jnp.float32),
            pltpu.VMEM((CHM,), jnp.float32),
            pltpu.VMEM((CHM,), jnp.float32),
            pltpu.VMEM((GP,), jnp.float32),
            pltpu.SemaphoreType.DMA,
            pltpu.SemaphoreType.DMA,
        ],
    )(_max_body)
    return run(xs, ys, zs)


def _finalize_body(mref, sref, oref):
    h = jnp.max(mref[:, :G], axis=0)
    s = sref[...]
    isum = s[0, :G] + s[2, :G]
    cnt = s[1, :G] + s[3, :G]
    h = jnp.where(h == -jnp.inf, 0.0, h)
    denom = jnp.where(cnt > 0, cnt, 1.0)
    iavg = jnp.where(cnt > 0, isum / denom, 0.0)
    oref[0, :] = jnp.clip((h - Z0) / (Z1 - Z0), 0.0, 1.0)
    oref[1, :] = jnp.clip(iavg / MAX_INTENSITY, 0.0, 1.0)
    oref[2, :] = jnp.clip(jnp.log(1.0 + cnt) / jnp.log(1.0 + N_MAX), 0.0, 1.0)


def _finalize(maxg, sums):
    return pl.pallas_call(
        _finalize_body,
        out_shape=jax.ShapeDtypeStruct((3, G), jnp.float32),
    )(maxg, sums)


def kernel(points):
    xs = points[:, 0]
    ys = points[:, 1]
    zs = points[:, 2]
    ws = points[:, 3]
    sums = _sc_sums(xs, ys, ws)
    maxg = _sc_max(xs, ys, zs)
    bev = _finalize(maxg.reshape(NW, GP), sums.reshape(4, GS))
    return bev.reshape(3, H, W)

# --- scband reference (transcript-rebuilt; emitter-appended) ---
"""Pipeline reference for scband-bevrasterization-block-14937896255876 (READ-ONLY COPY).

The authoritative reference and input builder live on the scoring server;
editing this copy changes nothing except your own understanding.
"""

import jax, jax.numpy as jnp
import numpy as np

H, W = 300, 400
RES = 0.1
X0, X1 = -20.0, 20.0
Y0, Y1 = -10.0, 30.0
Z0, Z1 = -3.0, 4.0
MAX_INTENSITY = 255.0
N_MAX = 128.0


def setup_inputs(seed: int = 0) -> dict:
    key = jax.random.key(seed)
    points = jax.random.normal(key, (1048576, 4), dtype=jnp.float32)
    return {"points": points}


def reference(points):
    x = points[:, 0]
    y = points[:, 1]
    z = points[:, 2]
    intensity = points[:, 3]

    mask = (x >= X0) & (x < X1) & (y >= Y0) & (y < Y1)

    px = jnp.clip(((x - X0) / RES).astype(jnp.int32), 0, W - 1)
    py = jnp.clip(((y - Y0) / RES).astype(jnp.int32), 0, H - 1)
    flat = py * W + px

    # Channel 0: max height per cell (scatter-max), -inf init like the numpy code
    neg_inf = jnp.float32(-jnp.inf)
    z_masked = jnp.where(mask, z, neg_inf)
    height = jnp.full((H * W,), neg_inf, dtype=jnp.float32).at[flat].max(z_masked)
    height = jnp.where(jnp.isinf(height), 0.0, height)

    # Channel 1/2: intensity sum and point count per cell (scatter-add)
    i_masked = jnp.where(mask, intensity, 0.0)
    ones_masked = jnp.where(mask, 1.0, 0.0).astype(jnp.float32)
    inten_sum = jnp.zeros((H * W,), dtype=jnp.float32).at[flat].add(i_masked)
    count = jnp.zeros((H * W,), dtype=jnp.float32).at[flat].add(ones_masked)

    inten_avg = jnp.where(count > 0, inten_sum / jnp.where(count > 0, count, 1.0), 0.0)

    # Normalization per the original numpy code
    height_n = jnp.clip((height - Z0) / (Z1 - Z0), 0.0, 1.0)
    inten_n = jnp.clip(inten_avg / MAX_INTENSITY, 0.0, 1.0)
    density_n = jnp.clip(jnp.log1p(count) / jnp.log(1.0 + N_MAX), 0.0, 1.0)

    bev = jnp.stack([
        height_n.reshape(H, W),
        inten_n.reshape(H, W),
        density_n.reshape(H, W),
    ], axis=0)
    return bev

if __name__ == "__main__":
    import jax
    _d = setup_inputs()
    print(jax.jit(kernel)(*tuple(_d.values())))

</pallas_src>

<mosaic_0001>
#map = affine_map<(d0, d1) -> (0)>
module attributes {stable_mosaic.version = 14 : i64} {
  func.func @_sum_body(%arg0: i32, %arg1: i32, %arg2: memref<1048576xf32, #tpu.memory_space<hbm>>, %arg3: memref<1048576xf32, #tpu.memory_space<hbm>>, %arg4: memref<1048576xf32, #tpu.memory_space<hbm>>, %arg5: memref<483328xf32, #tpu.memory_space<hbm>>, %arg6: memref<8192xf32, #tpu.memory_space<vmem>>, %arg7: memref<8192xf32, #tpu.memory_space<vmem>>, %arg8: memref<8192xf32, #tpu.memory_space<vmem>>, %arg9: memref<64x128xi32, #tpu.memory_space<vmem>>, %arg10: memref<8192xf32, #tpu.memory_space<vmem>>, %arg11: memref<8192xf32, #tpu.memory_space<vmem>>, %arg12: memref<8192xf32, #tpu.memory_space<vmem>>, %arg13: memref<64x128xi32, #tpu.memory_space<vmem>>, %arg14: memref<128xf32, #tpu.memory_space<vmem>>, %arg15: memref<7552xf32, #tpu.memory_space<vmem>>, %arg16: memref<120832xf32, #tpu.memory_space<vmem_shared>>, %arg17: memref<120832xf32, #tpu.memory_space<vmem_shared>>, %arg18: memref<!tpu.dma_semaphore, #tpu.memory_space<semaphore_mem>>, %arg19: memref<!tpu.dma_semaphore, #tpu.memory_space<semaphore_mem>>, %arg20: memref<!tpu.dma_semaphore, #tpu.memory_space<semaphore_mem>>, %arg21: memref<!tpu.dma_semaphore, #tpu.memory_space<semaphore_mem>>) attributes {dimension_semantics = [#tpu.dimension_semantics<core_parallel>, #tpu.dimension_semantics<subcore_parallel>], iteration_bounds = array<i64: 2, 16>, scalar_prefetch = 0 : i64, scratch_operands = 16 : i64, tpu.core_type = #tpu.core_type<sc_vector_subcore>, window_params = [{transform_indices = #map}, {transform_indices = #map}, {transform_indices = #map}, {transform_indices = #map}]} {
    %mul3A = arith.constant 2 : i32
    %mul3A_0 = arith.muli %arg1, %mul3A : i32
    %add3A = arith.addi %mul3A_0, %arg0 : i32
    %mul3A_1 = arith.constant 32768 : i32
    %mul3A_2 = arith.muli %add3A, %mul3A_1 : i32
    %broadcast_in_dim3A = arith.constant 0.000000e+00 : f32
    %broadcast_in_dim3A_3 = vector.broadcast %broadcast_in_dim3A : f32 to vector<16xf32>
    %broadcast_in_dim3A_4 = arith.constant 1.000000e+00 : f32
    %broadcast_in_dim3A_5 = vector.broadcast %broadcast_in_dim3A_4 : f32 to vector<16xf32>
    %scan3A = arith.constant 0 : i32
    %scan3A_6 = arith.constant 0 : i32
    %scan3A_7 = arith.constant 59 : i32
    %scan3A_8 = arith.addi %scan3A_6, %scan3A_7 : i32
    %scan3A_9 = arith.constant 1 : i32
    scf.for %scan3A_83 = %scan3A_6 to %scan3A_8 step %scan3A_9  : i32 {
      %mul3A_84 = arith.constant 128 : i32
      %mul3A_85 = arith.muli %scan3A_83, %mul3A_84 : i32
      %add3A_86 = arith.constant 0 : i32
      %add3A_87 = arith.addi %mul3A_85, %add3A_86 : i32
      %swap3A_88 = arith.index_cast %add3A_87 : i32 to index
      %swap3A_89 = tpu.vector_load %arg15[%swap3A_88] {strides = array<i32>} : memref<7552xf32, #tpu.memory_space<vmem>>, vector<16xf32>,
      tpu.vector_store %arg15[%swap3A_88], %broadcast_in_dim3A_3 {strides = array<i32>} : memref<7552xf32, #tpu.memory_space<vmem>>, vector<16xf32>,
      %mul3A_90 = arith.constant 128 : i32
      %mul3A_91 = arith.muli %scan3A_83, %mul3A_90 : i32
      %add3A_92 = arith.constant 16 : i32
      %add3A_93 = arith.addi %mul3A_91, %add3A_92 : i32
      %swap3A_94 = arith.index_cast %add3A_93 : i32 to index
      %swap3A_95 = tpu.vector_load %arg15[%swap3A_94] {strides = array<i32>} : memref<7552xf32, #tpu.memory_space<vmem>>, vector<16xf32>,
      tpu.vector_store %arg15[%swap3A_94], %broadcast_in_dim3A_3 {strides = array<i32>} : memref<7552xf32, #tpu.memory_space<vmem>>, vector<16xf32>,
      %mul3A_96 = arith.constant 128 : i32
      %mul3A_97 = arith.muli %scan3A_83, %mul3A_96 : i32
      %add3A_98 = arith.constant 32 : i32
      %add3A_99 = arith.addi %mul3A_97, %add3A_98 : i32
      %swap3A_100 = arith.index_cast %add3A_99 : i32 to index
      %swap3A_101 = tpu.vector_load %arg15[%swap3A_100] {strides = array<i32>} : memref<7552xf32, #tpu.memory_space<vmem>>, vector<16xf32>,
      tpu.vector_store %arg15[%swap3A_100], %broadcast_in_dim3A_3 {strides = array<i32>} : memref<7552xf32, #tpu.memory_space<vmem>>, vector<16xf32>,
      %mul3A_102 = arith.constant 128 : i32
      %mul3A_103 = arith.muli %scan3A_83, %mul3A_102 : i32
      %add3A_104 = arith.constant 48 : i32
      %add3A_105 = arith.addi %mul3A_103, %add3A_104 : i32
      %swap3A_106 = arith.index_cast %add3A_105 : i32 to index
      %swap3A_107 = tpu.vector_load %arg15[%swap3A_106] {strides = array<i32>} : memref<7552xf32, #tpu.memory_space<vmem>>, vector<16xf32>,
      tpu.vector_store %arg15[%swap3A_106], %broadcast_in_dim3A_3 {strides = array<i32>} : memref<7552xf32, #tpu.memory_space<vmem>>, vector<16xf32>,
      %mul3A_108 = arith.constant 128 : i32
      %mul3A_109 = arith.muli %scan3A_83, %mul3A_108 : i32
      %add3A_110 = arith.constant 64 : i32
      %add3A_111 = arith.addi %mul3A_109, %add3A_110 : i32
      %swap3A_112 = arith.index_cast %add3A_111 : i32 to index
      %swap3A_113 = tpu.vector_load %arg15[%swap3A_112] {strides = array<i32>} : memref<7552xf32, #tpu.memory_space<vmem>>, vector<16xf32>,
      tpu.vector_store %arg15[%swap3A_112], %broadcast_in_dim3A_3 {strides = array<i32>} : memref<7552xf32, #tpu.memory_space<vmem>>, vector<16xf32>,
      %mul3A_114 = arith.constant 128 : i32
      %mul3A_115 = arith.muli %scan3A_83, %mul3A_114 : i32
      %add3A_116 = arith.constant 80 : i32
      %add3A_117 = arith.addi %mul3A_115, %add3A_116 : i32
      %swap3A_118 = arith.index_cast %add3A_117 : i32 to index
      %swap3A_119 = tpu.vector_load %arg15[%swap3A_118] {strides = array<i32>} : memref<7552xf32, #tpu.memory_space<vmem>>, vector<16xf32>,
      tpu.vector_store %arg15[%swap3A_118], %broadcast_in_dim3A_3 {strides = array<i32>} : memref<7552xf32, #tpu.memory_space<vmem>>, vector<16xf32>,
      %mul3A_120 = arith.constant 128 : i32
      %mul3A_121 = arith.muli %scan3A_83, %mul3A_120 : i32
      %add3A_122 = arith.constant 96 : i32
      %add3A_123 = arith.addi %mul3A_121, %add3A_122 : i32
      %swap3A_124 = arith.index_cast %add3A_123 : i32 to index
      %swap3A_125 = tpu.vector_load %arg15[%swap3A_124] {strides = array<i32>} : memref<7552xf32, #tpu.memory_space<vmem>>, vector<16xf32>,
      tpu.vector_store %arg15[%swap3A_124], %broadcast_in_dim3A_3 {strides = array<i32>} : memref<7552xf32, #tpu.memory_space<vmem>>, vector<16xf32>,
      %mul3A_126 = arith.constant 128 : i32
      %mul3A_127 = arith.muli %scan3A_83, %mul3A_126 : i32
      %add3A_128 = arith.constant 112 : i32
      %add3A_129 = arith.addi %mul3A_127, %add3A_128 : i32
      %swap3A_130 = arith.index_cast %add3A_129 : i32 to index
      %swap3A_131 = tpu.vector_load %arg15[%swap3A_130] {strides = array<i32>} : memref<7552xf32, #tpu.memory_space<vmem>>, vector<16xf32>,
      tpu.vector_store %arg15[%swap3A_130], %broadcast_in_dim3A_3 {strides = array<i32>} : memref<7552xf32, #tpu.memory_space<vmem>>, vector<16xf32>,
    }
    %scan3A_10 = arith.constant 59 : i32
    %mul3A_11 = arith.constant 7552 : i32
    %mul3A_12 = arith.muli %arg1, %mul3A_11 : i32
    "tpu.region"() ({
      %run_scoped3A = tpu.sem_alloc : memref<!tpu.dma_semaphore, #tpu.memory_space<semaphore_mem>>
      %dma_start3A_83 = tpu.memref_slice %arg16[%mul3A_12] : memref<120832xf32, #tpu.memory_space<vmem_shared>> -> memref<7552xf32, #tpu.memory_space<vmem_shared>>
      %dma_start3A_84 = tpu.memref_slice %arg16[%mul3A_12] : memref<120832xf32, #tpu.memory_space<vmem_shared>> -> memref<7552xf32, #tpu.memory_space<vmem_shared>>
      tpu.enqueue_dma source(%arg15 : memref<7552xf32, #tpu.memory_space<vmem>>) target(%dma_start3A_84 : memref<7552xf32, #tpu.memory_space<vmem_shared>>) target_semaphore(%run_scoped3A : memref<!tpu.dma_semaphore, #tpu.memory_space<semaphore_mem>>)
      %dma_wait3A_85 = tpu.memref_slice %arg16[%mul3A_12] : memref<120832xf32, #tpu.memory_space<vmem_shared>> -> memref<7552xf32, #tpu.memory_space<vmem_shared>>
      %dma_wait3A_86 = tpu.memref_slice %arg16[%mul3A_12] : memref<120832xf32, #tpu.memory_space<vmem_shared>> -> memref<7552xf32, #tpu.memory_space<vmem_shared>>
      tpu.wait_dma2 semaphore(%run_scoped3A : memref<!tpu.dma_semaphore, #tpu.memory_space<semaphore_mem>>) src(%arg15 : memref<7552xf32, #tpu.memory_space<vmem>>) dst(%dma_wait3A_86 : memref<7552xf32, #tpu.memory_space<vmem_shared>>)
      tpu.yield
    }) : () -> ()
    %mul3A_13 = arith.constant 7552 : i32
    %mul3A_14 = arith.muli %arg1, %mul3A_13 : i32
    "tpu.region"() ({
      %run_scoped3A = tpu.sem_alloc : memref<!tpu.dma_semaphore, #tpu.memory_space<semaphore_mem>>
      %dma_start3A_83 = tpu.memref_slice %arg17[%mul3A_14] : memref<120832xf32, #tpu.memory_space<vmem_shared>> -> memref<7552xf32, #tpu.memory_space<vmem_shared>>
      %dma_start3A_84 = tpu.memref_slice %arg17[%mul3A_14] : memref<120832xf32, #tpu.memory_space<vmem_shared>> -> memref<7552xf32, #tpu.memory_space<vmem_shared>>
      tpu.enqueue_dma source(%arg15 : memref<7552xf32, #tpu.memory_space<vmem>>) target(%dma_start3A_84 : memref<7552xf32, #tpu.memory_space<vmem_shared>>) target_semaphore(%run_scoped3A : memref<!tpu.dma_semaphore, #tpu.memory_space<semaphore_mem>>)
      %dma_wait3A_85 = tpu.memref_slice %arg17[%mul3A_14] : memref<120832xf32, #tpu.memory_space<vmem_shared>> -> memref<7552xf32, #tpu.memory_space<vmem_shared>>
      %dma_wait3A_86 = tpu.memref_slice %arg17[%mul3A_14] : memref<120832xf32, #tpu.memory_space<vmem_shared>> -> memref<7552xf32, #tpu.memory_space<vmem_shared>>
      tpu.wait_dma2 semaphore(%run_scoped3A : memref<!tpu.dma_semaphore, #tpu.memory_space<semaphore_mem>>) src(%arg15 : memref<7552xf32, #tpu.memory_space<vmem>>) dst(%dma_wait3A_86 : memref<7552xf32, #tpu.memory_space<vmem_shared>>)
      tpu.yield
    }) : () -> ()
    %barrier3A = arith.constant 0 : index
    tpu.barrier barrier_id(%barrier3A)
    %swap3A = arith.constant 0 : index
    %swap3A_15 = tpu.vector_load %arg14[%swap3A] {strides = array<i32>} : memref<128xf32, #tpu.memory_space<vmem>>, vector<16xf32>,
    tpu.vector_store %arg14[%swap3A], %broadcast_in_dim3A_5 {strides = array<i32>} : memref<128xf32, #tpu.memory_space<vmem>>, vector<16xf32>,
    %swap3A_16 = arith.constant 16 : index
    %swap3A_17 = tpu.vector_load %arg14[%swap3A_16] {strides = array<i32>} : memref<128xf32, #tpu.memory_space<vmem>>, vector<16xf32>,
    tpu.vector_store %arg14[%swap3A_16], %broadcast_in_dim3A_5 {strides = array<i32>} : memref<128xf32, #tpu.memory_space<vmem>>, vector<16xf32>,
    %swap3A_18 = arith.constant 32 : index
    %swap3A_19 = tpu.vector_load %arg14[%swap3A_18] {strides = array<i32>} : memref<128xf32, #tpu.memory_space<vmem>>, vector<16xf32>,
    tpu.vector_store %arg14[%swap3A_18], %broadcast_in_dim3A_5 {strides = array<i32>} : memref<128xf32, #tpu.memory_space<vmem>>, vector<16xf32>,
    %swap3A_20 = arith.constant 48 : index
    %swap3A_21 = tpu.vector_load %arg14[%swap3A_20] {strides = array<i32>} : memref<128xf32, #tpu.memory_space<vmem>>, vector<16xf32>,
    tpu.vector_store %arg14[%swap3A_20], %broadcast_in_dim3A_5 {strides = array<i32>} : memref<128xf32, #tpu.memory_space<vmem>>, vector<16xf32>,
    %swap3A_22 = arith.constant 64 : index
    %swap3A_23 = tpu.vector_load %arg14[%swap3A_22] {strides = array<i32>} : memref<128xf32, #tpu.memory_space<vmem>>, vector<16xf32>,
    tpu.vector_store %arg14[%swap3A_22], %broadcast_in_dim3A_5 {strides = array<i32>} : memref<128xf32, #tpu.memory_space<vmem>>, vector<16xf32>,
    %swap3A_24 = arith.constant 80 : index
    %swap3A_25 = tpu.vector_load %arg14[%swap3A_24] {strides = array<i32>} : memref<128xf32, #tpu.memory_space<vmem>>, vector<16xf32>,
    tpu.vector_store %arg14[%swap3A_24], %broadcast_in_dim3A_5 {strides = array<i32>} : memref<128xf32, #tpu.memory_space<vmem>>, vector<16xf32>,
    %swap3A_26 = arith.constant 96 : index
    %swap3A_27 = tpu.vector_load %arg14[%swap3A_26] {strides = array<i32>} : memref<128xf32, #tpu.memory_space<vmem>>, vector<16xf32>,
    tpu.vector_store %arg14[%swap3A_26], %broadcast_in_dim3A_5 {strides = array<i32>} : memref<128xf32, #tpu.memory_space<vmem>>, vector<16xf32>,
    %swap3A_28 = arith.constant 112 : index
    %swap3A_29 = tpu.vector_load %arg14[%swap3A_28] {strides = array<i32>} : memref<128xf32, #tpu.memory_space<vmem>>, vector<16xf32>,
    tpu.vector_store %arg14[%swap3A_28], %broadcast_in_dim3A_5 {strides = array<i32>} : memref<128xf32, #tpu.memory_space<vmem>>, vector<16xf32>,
    %add3A_30 = arith.constant 0 : i32
    %add3A_31 = arith.addi %mul3A_2, %add3A_30 : i32
    %dma_start3A = tpu.memref_slice %arg2[%add3A_31] : memref<1048576xf32, #tpu.memory_space<hbm>> -> memref<8192xf32, #tpu.memory_space<hbm>>
    %dma_start3A_32 = tpu.memref_slice %arg2[%add3A_31] : memref<1048576xf32, #tpu.memory_space<hbm>> -> memref<8192xf32, #tpu.memory_space<hbm>>
    tpu.enqueue_dma source(%dma_start3A_32 : memref<8192xf32, #tpu.memory_space<hbm>>) target(%arg6 : memref<8192xf32, #tpu.memory_space<vmem>>) target_semaphore(%arg18 : memref<!tpu.dma_semaphore, #tpu.memory_space<semaphore_mem>>)
    %dma_start3A_33 = tpu.memref_slice %arg3[%add3A_31] : memref<1048576xf32, #tpu.memory_space<hbm>> -> memref<8192xf32, #tpu.memory_space<hbm>>
    %dma_start3A_34 = tpu.memref_slice %arg3[%add3A_31] : memref<1048576xf32, #tpu.memory_space<hbm>> -> memref<8192xf32, #tpu.memory_space<hbm>>
    tpu.enqueue_dma source(%dma_start3A_34 : memref<8192xf32, #tpu.memory_space<hbm>>) target(%arg7 : memref<8192xf32, #tpu.memory_space<vmem>>) target_semaphore(%arg18 : memref<!tpu.dma_semaphore, #tpu.memory_space<semaphore_mem>>)
    %dma_start3A_35 = tpu.memref_slice %arg4[%add3A_31] : memref<1048576xf32, #tpu.memory_space<hbm>> -> memref<8192xf32, #tpu.memory_space<hbm>>
    %dma_start3A_36 = tpu.memref_slice %arg4[%add3A_31] : memref<1048576xf32, #tpu.memory_space<hbm>> -> memref<8192xf32, #tpu.memory_space<hbm>>
    tpu.enqueue_dma source(%dma_start3A_36 : memref<8192xf32, #tpu.memory_space<hbm>>) target(%arg8 : memref<8192xf32, #tpu.memory_space<vmem>>) target_semaphore(%arg18 : memref<!tpu.dma_semaphore, #tpu.memory_space<semaphore_mem>>)
    %scan3A_37 = arith.constant 0 : i32
    %scan3A_38 = arith.constant 0 : i32
    %scan3A_39 = arith.constant 2 : i32
    %scan3A_40 = arith.addi %scan3A_38, %scan3A_39 : i32
    %scan3A_41 = arith.constant 1 : i32
    scf.for %scan3A_83 = %scan3A_38 to %scan3A_40 step %scan3A_41  : i32 {
      %mul3A_84 = arith.constant 2 : i32
      %mul3A_85 = arith.muli %mul3A_84, %scan3A_83 : i32
      %dma_wait3A_86 = arith.constant 0 : i32
      %dma_wait3A_87 = tpu.memref_slice %arg2[%dma_wait3A_86] : memref<1048576xf32, #tpu.memory_space<hbm>> -> memref<8192xf32, #tpu.memory_space<hbm>>
      %dma_wait3A_88 = arith.constant 0 : i32
      %dma_wait3A_89 = tpu.memref_slice %arg2[%dma_wait3A_88] : memref<1048576xf32, #tpu.memory_space<hbm>> -> memref<8192xf32, #tpu.memory_space<hbm>>
      tpu.wait_dma2 semaphore(%arg18 : memref<!tpu.dma_semaphore, #tpu.memory_space<semaphore_mem>>) src(%dma_wait3A_89 : memref<8192xf32, #tpu.memory_space<hbm>>) dst(%arg6 : memref<8192xf32, #tpu.memory_space<vmem>>)
      %dma_wait3A_90 = arith.constant 0 : i32
      %dma_wait3A_91 = tpu.memref_slice %arg3[%dma_wait3A_90] : memref<1048576xf32, #tpu.memory_space<hbm>> -> memref<8192xf32, #tpu.memory_space<hbm>>
      %dma_wait3A_92 = arith.constant 0 : i32
      %dma_wait3A_93 = tpu.memref_slice %arg3[%dma_wait3A_92] : memref<1048576xf32, #tpu.memory_space<hbm>> -> memref<8192xf32, #tpu.memory_space<hbm>>
      tpu.wait_dma2 semaphore(%arg18 : memref<!tpu.dma_semaphore, #tpu.memory_space<semaphore_mem>>) src(%dma_wait3A_93 : memref<8192xf32, #tpu.memory_space<hbm>>) dst(%arg7 : memref<8192xf32, #tpu.memory_space<vmem>>)
      %dma_wait3A_94 = arith.constant 0 : i32
      %dma_wait3A_95 = tpu.memref_slice %arg4[%dma_wait3A_94] : memref<1048576xf32, #tpu.memory_space<hbm>> -> memref<8192xf32, #tpu.memory_space<hbm>>
      %dma_wait3A_96 = arith.constant 0 : i32
      %dma_wait3A_97 = tpu.memref_slice %arg4[%dma_wait3A_96] : memref<1048576xf32, #tpu.memory_space<hbm>> -> memref<8192xf32, #tpu.memory_space<hbm>>
      tpu.wait_dma2 semaphore(%arg18 : memref<!tpu.dma_semaphore, #tpu.memory_space<semaphore_mem>>) src(%dma_wait3A_97 : memref<8192xf32, #tpu.memory_space<hbm>>) dst(%arg8 : memref<8192xf32, #tpu.memory_space<vmem>>)
      %scan3A_98 = arith.constant 0 : i32
      %scan3A_99 = arith.constant 0 : i32
      %scan3A_100 = arith.constant 512 : i32
      %scan3A_101 = arith.addi %scan3A_99, %scan3A_100 : i32
      %scan3A_102 = arith.constant 1 : i32
      scf.for %scan3A_165 = %scan3A_99 to %scan3A_101 step %scan3A_102  : i32 {
        %mul3A_166 = arith.constant 16 : i32
        %mul3A_167 = arith.muli %scan3A_165, %mul3A_166 : i32
        %get3A = arith.index_cast %mul3A_167 : i32 to index
        %get3A_168 = tpu.vector_load %arg6[%get3A] {strides = array<i32>} : memref<8192xf32, #tpu.memory_space<vmem>>, vector<16xf32>,
        %mul3A_169 = arith.constant 16 : i32
        %mul3A_170 = arith.muli %scan3A_165, %mul3A_169 : i32
        %get3A_171 = arith.index_cast %mul3A_170 : i32 to index
        %get3A_172 = tpu.vector_load %arg7[%get3A_171] {strides = array<i32>} : memref<8192xf32, #tpu.memory_space<vmem>>, vector<16xf32>,
        %ge3A = arith.constant -2.000000e+01 : f32
        %ge3A_173 = vector.broadcast %ge3A : f32 to vector<16xf32>
        %ge3A_174 = arith.cmpf oge, %get3A_168, %ge3A_173 : vector<16xf32>
        %lt3A = arith.constant 2.000000e+01 : f32
        %lt3A_175 = vector.broadcast %lt3A : f32 to vector<16xf32>
        %lt3A_176 = arith.cmpf olt, %get3A_168, %lt3A_175 : vector<16xf32>
        %and3A = arith.andi %ge3A_174, %lt3A_176 : vector<16xi1>
        %ge3A_177 = arith.constant -1.000000e+01 : f32
        %ge3A_178 = vector.broadcast %ge3A_177 : f32 to vector<16xf32>
        %ge3A_179 = arith.cmpf oge, %get3A_172, %ge3A_178 : vector<16xf32>
        %and3A_180 = arith.andi %and3A, %ge3A_179 : vector<16xi1>
        %lt3A_181 = arith.constant 3.000000e+01 : f32
        %lt3A_182 = vector.broadcast %lt3A_181 : f32 to vector<16xf32>
        %lt3A_183 = arith.cmpf olt, %get3A_172, %lt3A_182 : vector<16xf32>
        %and3A_184 = arith.andi %and3A_180, %lt3A_183 : vector<16xi1>
        %sub3A = arith.constant -2.000000e+01 : f32
        %sub3A_185 = vector.broadcast %sub3A : f32 to vector<16xf32>
        %sub3A_186 = arith.subf %get3A_168, %sub3A_185 : vector<16xf32>
        %div3A = arith.constant 1.000000e-01 : f32
        %div3A_187 = vector.broadcast %div3A : f32 to vector<16xf32>
        %div3A_188 = arith.divf %sub3A_186, %div3A_187 : vector<16xf32>
        %convert_element_type3A_189 = arith.fptosi %div3A_188 : vector<16xf32> to vector<16xi32>
        %jit3A = arith.constant 0 : i32
        %jit3A_190 = arith.constant 399 : i32
        %max3A = vector.broadcast %jit3A : i32 to vector<16xi32>
        %max3A_191 = arith.maxsi %max3A, %convert_element_type3A_189 : vector<16xi32>
        %min3A_192 = vector.broadcast %jit3A_190 : i32 to vector<16xi32>
        %min3A_193 = arith.minsi %min3A_192, %max3A_191 : vector<16xi32>
        %sub3A_194 = arith.constant -1.000000e+01 : f32
        %sub3A_195 = vector.broadcast %sub3A_194 : f32 to vector<16xf32>
        %sub3A_196 = arith.subf %get3A_172, %sub3A_195 : vector<16xf32>
        %div3A_197 = arith.constant 1.000000e-01 : f32
        %div3A_198 = vector.broadcast %div3A_197 : f32 to vector<16xf32>
        %div3A_199 = arith.divf %sub3A_196, %div3A_198 : vector<16xf32>
        %convert_element_type3A_200 = arith.fptosi %div3A_199 : vector<16xf32> to vector<16xi32>
        %jit3A_201 = arith.constant 0 : i32
        %jit3A_202 = arith.constant 299 : i32
        %max3A_203 = vector.broadcast %jit3A_201 : i32 to vector<16xi32>
        %max3A_204 = arith.maxsi %max3A_203, %convert_element_type3A_200 : vector<16xi32>
        %min3A_205 = vector.broadcast %jit3A_202 : i32 to vector<16xi32>
        %min3A_206 = arith.minsi %min3A_205, %max3A_204 : vector<16xi32>
        %mul3A_207 = arith.constant 400 : i32
        %mul3A_208 = vector.broadcast %mul3A_207 : i32 to vector<16xi32>
        %mul3A_209 = arith.muli %min3A_206, %mul3A_208 : vector<16xi32>
        %add3A_210 = arith.addi %mul3A_209, %min3A_193 : vector<16xi32>
        %jit3A_211 = arith.constant 120000 : i32
        %broadcast_in_dim3A_212 = vector.broadcast %jit3A_211 : i32 to vector<16xi32>
        %select_n3A = arith.select %and3A_184, %add3A_210, %broadcast_in_dim3A_212 : vector<16xi1>, vector<16xi32>
        %jit3A_213 = arith.constant 8 : i32
        %div3A_214 = arith.divsi %scan3A_165, %jit3A_213 : i32
        %sign3A = arith.constant 0 : i32
        %sign3A_215 = arith.cmpi sgt, %scan3A_165, %sign3A : i32
        %sign3A_216 = arith.extui %sign3A_215 : i1 to i32
        %sign3A_217 = arith.constant 0 : i32
        %sign3A_218 = arith.cmpi slt, %scan3A_165, %sign3A_217 : i32
        %sign3A_219 = arith.extui %sign3A_218 : i1 to i32
        %sign3A_220 = arith.subi %sign3A_216, %sign3A_219 : i32
        %sign3A_221 = arith.constant 0 : i32
        %sign3A_222 = arith.cmpi sgt, %jit3A_213, %sign3A_221 : i32
        %sign3A_223 = arith.extui %sign3A_222 : i1 to i32
        %sign3A_224 = arith.constant 0 : i32
        %sign3A_225 = arith.cmpi slt, %jit3A_213, %sign3A_224 : i32
        %sign3A_226 = arith.extui %sign3A_225 : i1 to i32
        %sign3A_227 = arith.subi %sign3A_223, %sign3A_226 : i32
        %ne3A = arith.cmpi ne, %sign3A_220, %sign3A_227 : i32
        %rem3A = arith.remsi %scan3A_165, %jit3A_213 : i32
        %ne3A_228 = arith.constant 0 : i32
        %ne3A_229 = arith.cmpi ne, %rem3A, %ne3A_228 : i32
        %and3A_230 = arith.andi %ne3A, %ne3A_229 : i1
        %sub3A_231 = arith.constant 1 : i32
        %sub3A_232 = arith.subi %div3A_214, %sub3A_231 : i32
        %select_n3A_233 = arith.select %and3A_230, %sub3A_232, %div3A_214 : i32
        %jit3A_234 = arith.constant 8 : i32
        %eq3A = arith.constant 0 : i32
        %eq3A_235 = arith.cmpi eq, %jit3A_234, %eq3A : i32
        %jit3A_236 = arith.constant 1 : i32
        %select_n3A_237 = arith.select %eq3A_235, %jit3A_236, %jit3A_234 : i32
        %rem3A_238 = arith.remsi %scan3A_165, %select_n3A_237 : i32
        %ne3A_239 = arith.constant 0 : i32
        %ne3A_240 = arith.cmpi ne, %rem3A_238, %ne3A_239 : i32
        %lt3A_241 = arith.constant 0 : i32
        %lt3A_242 = arith.cmpi slt, %rem3A_238, %lt3A_241 : i32
        %lt3A_243 = arith.constant 0 : i32
        %lt3A_244 = arith.cmpi slt, %select_n3A_237, %lt3A_243 : i32
        %ne3A_245 = arith.xori %lt3A_242, %lt3A_244 : i1
        %and3A_246 = arith.andi %ne3A_245, %ne3A_240 : i1
        %add3A_247 = arith.addi %rem3A_238, %select_n3A_237 : i32
        %select_n3A_248 = arith.select %and3A_246, %add3A_247, %rem3A_238 : i32
        %mul3A_249 = arith.constant 16 : i32
        %mul3A_250 = arith.muli %select_n3A_248, %mul3A_249 : i32
        %swap3A_251 = arith.index_cast %select_n3A_233 : i32 to index
        %swap3A_252 = arith.index_cast %mul3A_250 : i32 to index
        %swap3A_253 = tpu.vector_load %arg9[%swap3A_251, %swap3A_252] {strides = array<i32>} : memref<64x128xi32, #tpu.memory_space<vmem>>, vector<16xi32>,
        tpu.vector_store %arg9[%swap3A_251, %swap3A_252], %select_n3A {strides = array<i32>} : memref<64x128xi32, #tpu.memory_space<vmem>>, vector<16xi32>,
      }
      %scan3A_103 = arith.constant 512 : i32
      %gt3A = arith.constant 0 : i32
      %gt3A_104 = arith.cmpi sgt, %scan3A_83, %gt3A : i32
      %convert_element_type3A = arith.extui %gt3A_104 : i1 to i32
      %cond3A = arith.constant 0 : i32
      %cond3A_105 = arith.cmpi ne, %convert_element_type3A, %cond3A : i32
      scf.if %cond3A_105 {
        %scan3A_165 = arith.constant 0 : i32
        %scan3A_166 = arith.constant 0 : i32
        %scan3A_167 = arith.constant 64 : i32
        %scan3A_168 = arith.addi %scan3A_166, %scan3A_167 : i32
        %scan3A_169 = arith.constant 1 : i32
        scf.for %scan3A_171 = %scan3A_166 to %scan3A_168 step %scan3A_169  : i32 {
          %mul3A_172 = arith.constant 128 : i32
          %mul3A_173 = arith.muli %scan3A_171, %mul3A_172 : i32
          %dma_wait3A_174 = tpu.memref_slice %arg12[%mul3A_173] : memref<8192xf32, #tpu.memory_space<vmem>> -> memref<128xf32, #tpu.memory_space<vmem>>
          %dma_wait3A_175 = arith.constant 0 : i32
          %dma_wait3A_176 = tpu.memref_slice %arg13[%scan3A_171, %dma_wait3A_175] : memref<64x128xi32, #tpu.memory_space<vmem>> -> memref<1x128xi32, #tpu.memory_space<vmem>>
          %dma_wait3A_177 = tpu.memref_squeeze %dma_wait3A_176 : memref<1x128xi32, #tpu.memory_space<vmem>> -> memref<128xi32, #tpu.memory_space<vmem>>
          %dma_wait3A_178 = arith.constant 0 : i32
          %dma_wait3A_179 = tpu.memref_slice %arg16[%dma_wait3A_178] : memref<120832xf32, #tpu.memory_space<vmem_shared>> -> memref<120832xf32, #tpu.memory_space<vmem_shared>>
          tpu.wait_indirect_dma semaphore(%arg21 : memref<!tpu.dma_semaphore, #tpu.memory_space<semaphore_mem>>) src(%dma_wait3A_174 : memref<128xf32, #tpu.memory_space<vmem>>) dst(%dma_wait3A_179 : memref<120832xf32, #tpu.memory_space<vmem_shared>>)
          %dma_wait3A_180 = arith.constant 0 : i32
          %dma_wait3A_181 = tpu.memref_slice %arg13[%scan3A_171, %dma_wait3A_180] : memref<64x128xi32, #tpu.memory_space<vmem>> -> memref<1x128xi32, #tpu.memory_space<vmem>>
          %dma_wait3A_182 = tpu.memref_squeeze %dma_wait3A_181 : memref<1x128xi32, #tpu.memory_space<vmem>> -> memref<128xi32, #tpu.memory_space<vmem>>
          %dma_wait3A_183 = arith.constant 0 : i32
          %dma_wait3A_184 = tpu.memref_slice %arg17[%dma_wait3A_183] : memref<120832xf32, #tpu.memory_space<vmem_shared>> -> memref<120832xf32, #tpu.memory_space<vmem_shared>>
          tpu.wait_indirect_dma semaphore(%arg21 : memref<!tpu.dma_semaphore, #tpu.memory_space<semaphore_mem>>) src(%arg14 : memref<128xf32, #tpu.memory_space<vmem>>) dst(%dma_wait3A_184 : memref<120832xf32, #tpu.memory_space<vmem_shared>>)
        }
        %scan3A_170 = arith.constant 64 : i32
      } else {
      }
      %add3A_106 = arith.constant 1 : i32
      %add3A_107 = arith.addi %mul3A_85, %add3A_106 : i32
      %mul3A_108 = arith.constant 8192 : i32
      %mul3A_109 = arith.muli %add3A_107, %mul3A_108 : i32
      %add3A_110 = arith.addi %mul3A_2, %mul3A_109 : i32
      %dma_start3A_111 = tpu.memref_slice %arg2[%add3A_110] : memref<1048576xf32, #tpu.memory_space<hbm>> -> memref<8192xf32, #tpu.memory_space<hbm>>
      %dma_start3A_112 = tpu.memref_slice %arg2[%add3A_110] : memref<1048576xf32, #tpu.memory_space<hbm>> -> memref<8192xf32, #tpu.memory_space<hbm>>
      tpu.enqueue_dma source(%dma_start3A_112 : memref<8192xf32, #tpu.memory_space<hbm>>) target(%arg10 : memref<8192xf32, #tpu.memory_space<vmem>>) target_semaphore(%arg19 : memref<!tpu.dma_semaphore, #tpu.memory_space<semaphore_mem>>)
      %dma_start3A_113 = tpu.memref_slice %arg3[%add3A_110] : memref<1048576xf32, #tpu.memory_space<hbm>> -> memref<8192xf32, #tpu.memory_space<hbm>>
      %dma_start3A_114 = tpu.memref_slice %arg3[%add3A_110] : memref<1048576xf32, #tpu.memory_space<hbm>> -> memref<8192xf32, #tpu.memory_space<hbm>>
      tpu.enqueue_dma source(%dma_start3A_114 : memref<8192xf32, #tpu.memory_space<hbm>>) target(%arg11 : memref<8192xf32, #tpu.memory_space<vmem>>) target_semaphore(%arg19 : memref<!tpu.dma_semaphore, #tpu.memory_space<semaphore_mem>>)
      %dma_start3A_115 = tpu.memref_slice %arg4[%add3A_110] : memref<1048576xf32, #tpu.memory_space<hbm>> -> memref<8192xf32, #tpu.memory_space<hbm>>
      %dma_start3A_116 = tpu.memref_slice %arg4[%add3A_110] : memref<1048576xf32, #tpu.memory_space<hbm>> -> memref<8192xf32, #tpu.memory_space<hbm>>
      tpu.enqueue_dma source(%dma_start3A_116 : memref<8192xf32, #tpu.memory_space<hbm>>) target(%arg12 : memref<8192xf32, #tpu.memory_space<vmem>>) target_semaphore(%arg19 : memref<!tpu.dma_semaphore, #tpu.memory_space<semaphore_mem>>)
      %scan3A_117 = arith.constant 0 : i32
      %scan3A_118 = arith.constant 0 : i32
      %scan3A_119 = arith.constant 64 : i32
      %scan3A_120 = arith.addi %scan3A_118, %scan3A_119 : i32
      %scan3A_121 = arith.constant 1 : i32
      scf.for %scan3A_165 = %scan3A_118 to %scan3A_120 step %scan3A_121  : i32 {
        %mul3A_166 = arith.constant 128 : i32
        %mul3A_167 = arith.muli %scan3A_165, %mul3A_166 : i32
        %dma_start3A_168 = tpu.memref_slice %arg8[%mul3A_167] : memref<8192xf32, #tpu.memory_space<vmem>> -> memref<128xf32, #tpu.memory_space<vmem>>
        %dma_start3A_169 = arith.constant 0 : i32
        %dma_start3A_170 = tpu.memref_slice %arg9[%scan3A_165, %dma_start3A_169] : memref<64x128xi32, #tpu.memory_space<vmem>> -> memref<1x128xi32, #tpu.memory_space<vmem>>
        %dma_start3A_171 = tpu.memref_squeeze %dma_start3A_170 : memref<1x128xi32, #tpu.memory_space<vmem>> -> memref<128xi32, #tpu.memory_space<vmem>>
        %dma_start3A_172 = arith.constant 0 : i32
        %dma_start3A_173 = tpu.memref_slice %arg16[%dma_start3A_172] : memref<120832xf32, #tpu.memory_space<vmem_shared>> -> memref<120832xf32, #tpu.memory_space<vmem_shared>>
        tpu.enqueue_indirect_dma source(%dma_start3A_168 : memref<128xf32, #tpu.memory_space<vmem>>) target(%dma_start3A_173 : memref<120832xf32, #tpu.memory_space<vmem_shared>>) offsets(%dma_start3A_171 : memref<128xi32, #tpu.memory_space<vmem>>) semaphore(%arg20 : memref<!tpu.dma_semaphore, #tpu.memory_space<semaphore_mem>>) {add = true}
        %dma_start3A_174 = arith.constant 0 : i32
        %dma_start3A_175 = tpu.memref_slice %arg9[%scan3A_165, %dma_start3A_174] : memref<64x128xi32, #tpu.memory_space<vmem>> -> memref<1x128xi32, #tpu.memory_space<vmem>>
        %dma_start3A_176 = tpu.memref_squeeze %dma_start3A_175 : memref<1x128xi32, #tpu.memory_space<vmem>> -> memref<128xi32, #tpu.memory_space<vmem>>
        %dma_start3A_177 = arith.constant 0 : i32
        %dma_start3A_178 = tpu.memref_slice %arg17[%dma_start3A_177] : memref<120832xf32, #tpu.memory_space<vmem_shared>> -> memref<120832xf32, #tpu.memory_space<vmem_shared>>
        tpu.enqueue_indirect_dma source(%arg14 : memref<128xf32, #tpu.memory_space<vmem>>) target(%dma_start3A_178 : memref<120832xf32, #tpu.memory_space<vmem_shared>>) offsets(%dma_start3A_176 : memref<128xi32, #tpu.memory_space<vmem>>) semaphore(%arg20 : memref<!tpu.dma_semaphore, #tpu.memory_space<semaphore_mem>>) {add = true}
      }
      %scan3A_122 = arith.constant 64 : i32
      %dma_wait3A_123 = arith.constant 0 : i32
      %dma_wait3A_124 = tpu.memref_slice %arg2[%dma_wait3A_123] : memref<1048576xf32, #tpu.memory_space<hbm>> -> memref<8192xf32, #tpu.memory_space<hbm>>
      %dma_wait3A_125 = arith.constant 0 : i32
      %dma_wait3A_126 = tpu.memref_slice %arg2[%dma_wait3A_125] : memref<1048576xf32, #tpu.memory_space<hbm>> -> memref<8192xf32, #tpu.memory_space<hbm>>
      tpu.wait_dma2 semaphore(%arg19 : memref<!tpu.dma_semaphore, #tpu.memory_space<semaphore_mem>>) src(%dma_wait3A_126 : memref<8192xf32, #tpu.memory_space<hbm>>) dst(%arg10 : memref<8192xf32, #tpu.memory_space<vmem>>)
      %dma_wait3A_127 = arith.constant 0 : i32
      %dma_wait3A_128 = tpu.memref_slice %arg3[%dma_wait3A_127] : memref<1048576xf32, #tpu.memory_space<hbm>> -> memref<8192xf32, #tpu.memory_space<hbm>>
      %dma_wait3A_129 = arith.constant 0 : i32
      %dma_wait3A_130 = tpu.memref_slice %arg3[%dma_wait3A_129] : memref<1048576xf32, #tpu.memory_space<hbm>> -> memref<8192xf32, #tpu.memory_space<hbm>>
      tpu.wait_dma2 semaphore(%arg19 : memref<!tpu.dma_semaphore, #tpu.memory_space<semaphore_mem>>) src(%dma_wait3A_130 : memref<8192xf32, #tpu.memory_space<hbm>>) dst(%arg11 : memref<8192xf32, #tpu.memory_space<vmem>>)
      %dma_wait3A_131 = arith.constant 0 : i32
      %dma_wait3A_132 = tpu.memref_slice %arg4[%dma_wait3A_131] : memref<1048576xf32, #tpu.memory_space<hbm>> -> memref<8192xf32, #tpu.memory_space<hbm>>
      %dma_wait3A_133 = arith.constant 0 : i32
      %dma_wait3A_134 = tpu.memref_slice %arg4[%dma_wait3A_133] : memref<1048576xf32, #tpu.memory_space<hbm>> -> memref<8192xf32, #tpu.memory_space<hbm>>
      tpu.wait_dma2 semaphore(%arg19 : memref<!tpu.dma_semaphore, #tpu.memory_space<semaphore_mem>>) src(%dma_wait3A_134 : memref<8192xf32, #tpu.memory_space<hbm>>) dst(%arg12 : memref<8192xf32, #tpu.memory_space<vmem>>)
      %scan3A_135 = arith.constant 0 : i32
      %scan3A_136 = arith.constant 0 : i32
      %scan3A_137 = arith.constant 512 : i32
      %scan3A_138 = arith.addi %scan3A_136, %scan3A_137 : i32
      %scan3A_139 = arith.constant 1 : i32
      scf.for %scan3A_165 = %scan3A_136 to %scan3A_138 step %scan3A_139  : i32 {
        %mul3A_166 = arith.constant 16 : i32
        %mul3A_167 = arith.muli %scan3A_165, %mul3A_166 : i32
        %get3A = arith.index_cast %mul3A_167 : i32 to index
        %get3A_168 = tpu.vector_load %arg10[%get3A] {strides = array<i32>} : memref<8192xf32, #tpu.memory_space<vmem>>, vector<16xf32>,
        %mul3A_169 = arith.constant 16 : i32
        %mul3A_170 = arith.muli %scan3A_165, %mul3A_169 : i32
        %get3A_171 = arith.index_cast %mul3A_170 : i32 to index
        %get3A_172 = tpu.vector_load %arg11[%get3A_171] {strides = array<i32>} : memref<8192xf32, #tpu.memory_space<vmem>>, vector<16xf32>,
        %ge3A = arith.constant -2.000000e+01 : f32
        %ge3A_173 = vector.broadcast %ge3A : f32 to vector<16xf32>
        %ge3A_174 = arith.cmpf oge, %get3A_168, %ge3A_173 : vector<16xf32>
        %lt3A = arith.constant 2.000000e+01 : f32
        %lt3A_175 = vector.broadcast %lt3A : f32 to vector<16xf32>
        %lt3A_176 = arith.cmpf olt, %get3A_168, %lt3A_175 : vector<16xf32>
        %and3A = arith.andi %ge3A_174, %lt3A_176 : vector<16xi1>
        %ge3A_177 = arith.constant -1.000000e+01 : f32
        %ge3A_178 = vector.broadcast %ge3A_177 : f32 to vector<16xf32>
        %ge3A_179 = arith.cmpf oge, %get3A_172, %ge3A_178 : vector<16xf32>
        %and3A_180 = arith.andi %and3A, %ge3A_179 : vector<16xi1>
        %lt3A_181 = arith.constant 3.000000e+01 : f32
        %lt3A_182 = vector.broadcast %lt3A_181 : f32 to vector<16xf32>
        %lt3A_183 = arith.cmpf olt, %get3A_172, %lt3A_182 : vector<16xf32>
        %and3A_184 = arith.andi %and3A_180, %lt3A_183 : vector<16xi1>
        %sub3A = arith.constant -2.000000e+01 : f32
        %sub3A_185 = vector.broadcast %sub3A : f32 to vector<16xf32>
        %sub3A_186 = arith.subf %get3A_168, %sub3A_185 : vector<16xf32>
        %div3A = arith.constant 1.000000e-01 : f32
        %div3A_187 = vector.broadcast %div3A : f32 to vector<16xf32>
        %div3A_188 = arith.divf %sub3A_186, %div3A_187 : vector<16xf32>
        %convert_element_type3A_189 = arith.fptosi %div3A_188 : vector<16xf32> to vector<16xi32>
        %jit3A = arith.constant 0 : i32
        %jit3A_190 = arith.constant 399 : i32
        %max3A = vector.broadcast %jit3A : i32 to vector<16xi32>
        %max3A_191 = arith.maxsi %max3A, %convert_element_type3A_189 : vector<16xi32>
        %min3A_192 = vector.broadcast %jit3A_190 : i32 to vector<16xi32>
        %min3A_193 = arith.minsi %min3A_192, %max3A_191 : vector<16xi32>
        %sub3A_194 = arith.constant -1.000000e+01 : f32
        %sub3A_195 = vector.broadcast %sub3A_194 : f32 to vector<16xf32>
        %sub3A_196 = arith.subf %get3A_172, %sub3A_195 : vector<16xf32>
        %div3A_197 = arith.constant 1.000000e-01 : f32
        %div3A_198 = vector.broadcast %div3A_197 : f32 to vector<16xf32>
        %div3A_199 = arith.divf %sub3A_196, %div3A_198 : vector<16xf32>
        %convert_element_type3A_200 = arith.fptosi %div3A_199 : vector<16xf32> to vector<16xi32>
        %jit3A_201 = arith.constant 0 : i32
        %jit3A_202 = arith.constant 299 : i32
        %max3A_203 = vector.broadcast %jit3A_201 : i32 to vector<16xi32>
        %max3A_204 = arith.maxsi %max3A_203, %convert_element_type3A_200 : vector<16xi32>
        %min3A_205 = vector.broadcast %jit3A_202 : i32 to vector<16xi32>
        %min3A_206 = arith.minsi %min3A_205, %max3A_204 : vector<16xi32>
        %mul3A_207 = arith.constant 400 : i32
        %mul3A_208 = vector.broadcast %mul3A_207 : i32 to vector<16xi32>
        %mul3A_209 = arith.muli %min3A_206, %mul3A_208 : vector<16xi32>
        %add3A_210 = arith.addi %mul3A_209, %min3A_193 : vector<16xi32>
        %jit3A_211 = arith.constant 120000 : i32
        %broadcast_in_dim3A_212 = vector.broadcast %jit3A_211 : i32 to vector<16xi32>
        %select_n3A = arith.select %and3A_184, %add3A_210, %broadcast_in_dim3A_212 : vector<16xi1>, vector<16xi32>
        %jit3A_213 = arith.constant 8 : i32
        %div3A_214 = arith.divsi %scan3A_165, %jit3A_213 : i32
        %sign3A = arith.constant 0 : i32
        %sign3A_215 = arith.cmpi sgt, %scan3A_165, %sign3A : i32
        %sign3A_216 = arith.extui %sign3A_215 : i1 to i32
        %sign3A_217 = arith.constant 0 : i32
        %sign3A_218 = arith.cmpi slt, %scan3A_165, %sign3A_217 : i32
        %sign3A_219 = arith.extui %sign3A_218 : i1 to i32
        %sign3A_220 = arith.subi %sign3A_216, %sign3A_219 : i32
        %sign3A_221 = arith.constant 0 : i32
        %sign3A_222 = arith.cmpi sgt, %jit3A_213, %sign3A_221 : i32
        %sign3A_223 = arith.extui %sign3A_222 : i1 to i32
        %sign3A_224 = arith.constant 0 : i32
        %sign3A_225 = arith.cmpi slt, %jit3A_213, %sign3A_224 : i32
        %sign3A_226 = arith.extui %sign3A_225 : i1 to i32
        %sign3A_227 = arith.subi %sign3A_223, %sign3A_226 : i32
        %ne3A = arith.cmpi ne, %sign3A_220, %sign3A_227 : i32
        %rem3A = arith.remsi %scan3A_165, %jit3A_213 : i32
        %ne3A_228 = arith.constant 0 : i32
        %ne3A_229 = arith.cmpi ne, %rem3A, %ne3A_228 : i32
        %and3A_230 = arith.andi %ne3A, %ne3A_229 : i1
        %sub3A_231 = arith.constant 1 : i32
        %sub3A_232 = arith.subi %div3A_214, %sub3A_231 : i32
        %select_n3A_233 = arith.select %and3A_230, %sub3A_232, %div3A_214 : i32
        %jit3A_234 = arith.constant 8 : i32
        %eq3A = arith.constant 0 : i32
        %eq3A_235 = arith.cmpi eq, %jit3A_234, %eq3A : i32
        %jit3A_236 = arith.constant 1 : i32
        %select_n3A_237 = arith.select %eq3A_235, %jit3A_236, %jit3A_234 : i32
        %rem3A_238 = arith.remsi %scan3A_165, %select_n3A_237 : i32
        %ne3A_239 = arith.constant 0 : i32
        %ne3A_240 = arith.cmpi ne, %rem3A_238, %ne3A_239 : i32
        %lt3A_241 = arith.constant 0 : i32
        %lt3A_242 = arith.cmpi slt, %rem3A_238, %lt3A_241 : i32
        %lt3A_243 = arith.constant 0 : i32
        %lt3A_244 = arith.cmpi slt, %select_n3A_237, %lt3A_243 : i32
        %ne3A_245 = arith.xori %lt3A_242, %lt3A_244 : i1
        %and3A_246 = arith.andi %ne3A_245, %ne3A_240 : i1
        %add3A_247 = arith.addi %rem3A_238, %select_n3A_237 : i32
        %select_n3A_248 = arith.select %and3A_246, %add3A_247, %rem3A_238 : i32
        %mul3A_249 = arith.constant 16 : i32
        %mul3A_250 = arith.muli %select_n3A_248, %mul3A_249 : i32
        %swap3A_251 = arith.index_cast %select_n3A_233 : i32 to index
        %swap3A_252 = arith.index_cast %mul3A_250 : i32 to index
        %swap3A_253 = tpu.vector_load %arg13[%swap3A_251, %swap3A_252] {strides = array<i32>} : memref<64x128xi32, #tpu.memory_space<vmem>>, vector<16xi32>,
        tpu.vector_store %arg13[%swap3A_251, %swap3A_252], %select_n3A {strides = array<i32>} : memref<64x128xi32, #tpu.memory_space<vmem>>, vector<16xi32>,
      }
      %scan3A_140 = arith.constant 512 : i32
      %scan3A_141 = arith.constant 0 : i32
      %scan3A_142 = arith.constant 0 : i32
      %scan3A_143 = arith.constant 64 : i32
      %scan3A_144 = arith.addi %scan3A_142, %scan3A_143 : i32
      %scan3A_145 = arith.constant 1 : i32
      scf.for %scan3A_165 = %scan3A_142 to %scan3A_144 step %scan3A_145  : i32 {
        %mul3A_166 = arith.constant 128 : i32
        %mul3A_167 = arith.muli %scan3A_165, %mul3A_166 : i32
        %dma_wait3A_168 = tpu.memref_slice %arg8[%mul3A_167] : memref<8192xf32, #tpu.memory_space<vmem>> -> memref<128xf32, #tpu.memory_space<vmem>>
        %dma_wait3A_169 = arith.constant 0 : i32
        %dma_wait3A_170 = tpu.memref_slice %arg9[%scan3A_165, %dma_wait3A_169] : memref<64x128xi32, #tpu.memory_space<vmem>> -> memref<1x128xi32, #tpu.memory_space<vmem>>
        %dma_wait3A_171 = tpu.memref_squeeze %dma_wait3A_170 : memref<1x128xi32, #tpu.memory_space<vmem>> -> memref<128xi32, #tpu.memory_space<vmem>>
        %dma_wait3A_172 = arith.constant 0 : i32
        %dma_wait3A_173 = tpu.memref_slice %arg16[%dma_wait3A_172] : memref<120832xf32, #tpu.memory_space<vmem_shared>> -> memref<120832xf32, #tpu.memory_space<vmem_shared>>
        tpu.wait_indirect_dma semaphore(%arg20 : memref<!tpu.dma_semaphore, #tpu.memory_space<semaphore_mem>>) src(%dma_wait3A_168 : memref<128xf32, #tpu.memory_space<vmem>>) dst(%dma_wait3A_173 : memref<120832xf32, #tpu.memory_space<vmem_shared>>)
        %dma_wait3A_174 = arith.constant 0 : i32
        %dma_wait3A_175 = tpu.memref_slice %arg9[%scan3A_165, %dma_wait3A_174] : memref<64x128xi32, #tpu.memory_space<vmem>> -> memref<1x128xi32, #tpu.memory_space<vmem>>
        %dma_wait3A_176 = tpu.memref_squeeze %dma_wait3A_175 : memref<1x128xi32, #tpu.memory_space<vmem>> -> memref<128xi32, #tpu.memory_space<vmem>>
        %dma_wait3A_177 = arith.constant 0 : i32
        %dma_wait3A_178 = tpu.memref_slice %arg17[%dma_wait3A_177] : memref<120832xf32, #tpu.memory_space<vmem_shared>> -> memref<120832xf32, #tpu.memory_space<vmem_shared>>
        tpu.wait_indirect_dma semaphore(%arg20 : memref<!tpu.dma_semaphore, #tpu.memory_space<semaphore_mem>>) src(%arg14 : memref<128xf32, #tpu.memory_space<vmem>>) dst(%dma_wait3A_178 : memref<120832xf32, #tpu.memory_space<vmem_shared>>)
      }
      %scan3A_146 = arith.constant 64 : i32
      %add3A_147 = arith.constant 2 : i32
      %add3A_148 = arith.addi %mul3A_85, %add3A_147 : i32
      %min3A = arith.constant 3 : i32
      %min3A_149 = arith.minsi %add3A_148, %min3A : i32
      %mul3A_150 = arith.constant 8192 : i32
      %mul3A_151 = arith.muli %min3A_149, %mul3A_150 : i32
      %add3A_152 = arith.addi %mul3A_2, %mul3A_151 : i32
      %dma_start3A_153 = tpu.memref_slice %arg2[%add3A_152] : memref<1048576xf32, #tpu.memory_space<hbm>> -> memref<8192xf32, #tpu.memory_space<hbm>>
      %dma_start3A_154 = tpu.memref_slice %arg2[%add3A_152] : memref<1048576xf32, #tpu.memory_space<hbm>> -> memref<8192xf32, #tpu.memory_space<hbm>>
      tpu.enqueue_dma source(%dma_start3A_154 : memref<8192xf32, #tpu.memory_space<hbm>>) target(%arg6 : memref<8192xf32, #tpu.memory_space<vmem>>) target_semaphore(%arg18 : memref<!tpu.dma_semaphore, #tpu.memory_space<semaphore_mem>>)
      %dma_start3A_155 = tpu.memref_slice %arg3[%add3A_152] : memref<1048576xf32, #tpu.memory_space<hbm>> -> memref<8192xf32, #tpu.memory_space<hbm>>
      %dma_start3A_156 = tpu.memref_slice %arg3[%add3A_152] : memref<1048576xf32, #tpu.memory_space<hbm>> -> memref<8192xf32, #tpu.memory_space<hbm>>
      tpu.enqueue_dma source(%dma_start3A_156 : memref<8192xf32, #tpu.memory_space<hbm>>) target(%arg7 : memref<8192xf32, #tpu.memory_space<vmem>>) target_semaphore(%arg18 : memref<!tpu.dma_semaphore, #tpu.memory_space<semaphore_mem>>)
      %dma_start3A_157 = tpu.memref_slice %arg4[%add3A_152] : memref<1048576xf32, #tpu.memory_space<hbm>> -> memref<8192xf32, #tpu.memory_space<hbm>>
      %dma_start3A_158 = tpu.memref_slice %arg4[%add3A_152] : memref<1048576xf32, #tpu.memory_space<hbm>> -> memref<8192xf32, #tpu.memory_space<hbm>>
      tpu.enqueue_dma source(%dma_start3A_158 : memref<8192xf32, #tpu.memory_space<hbm>>) target(%arg8 : memref<8192xf32, #tpu.memory_space<vmem>>) target_semaphore(%arg18 : memref<!tpu.dma_semaphore, #tpu.memory_space<semaphore_mem>>)
      %scan3A_159 = arith.constant 0 : i32
      %scan3A_160 = arith.constant 0 : i32
      %scan3A_161 = arith.constant 64 : i32
      %scan3A_162 = arith.addi %scan3A_160, %scan3A_161 : i32
      %scan3A_163 = arith.constant 1 : i32
      scf.for %scan3A_165 = %scan3A_160 to %scan3A_162 step %scan3A_163  : i32 {
        %mul3A_166 = arith.constant 128 : i32
        %mul3A_167 = arith.muli %scan3A_165, %mul3A_166 : i32
        %dma_start3A_168 = tpu.memref_slice %arg12[%mul3A_167] : memref<8192xf32, #tpu.memory_space<vmem>> -> memref<128xf32, #tpu.memory_space<vmem>>
        %dma_start3A_169 = arith.constant 0 : i32
        %dma_start3A_170 = tpu.memref_slice %arg13[%scan3A_165, %dma_start3A_169] : memref<64x128xi32, #tpu.memory_space<vmem>> -> memref<1x128xi32, #tpu.memory_space<vmem>>
        %dma_start3A_171 = tpu.memref_squeeze %dma_start3A_170 : memref<1x128xi32, #tpu.memory_space<vmem>> -> memref<128xi32, #tpu.memory_space<vmem>>
        %dma_start3A_172 = arith.constant 0 : i32
        %dma_start3A_173 = tpu.memref_slice %arg16[%dma_start3A_172] : memref<120832xf32, #tpu.memory_space<vmem_shared>> -> memref<120832xf32, #tpu.memory_space<vmem_shared>>
        tpu.enqueue_indirect_dma source(%dma_start3A_168 : memref<128xf32, #tpu.memory_space<vmem>>) target(%dma_start3A_173 : memref<120832xf32, #tpu.memory_space<vmem_shared>>) offsets(%dma_start3A_171 : memref<128xi32, #tpu.memory_space<vmem>>) semaphore(%arg21 : memref<!tpu.dma_semaphore, #tpu.memory_space<semaphore_mem>>) {add = true}
        %dma_start3A_174 = arith.constant 0 : i32
        %dma_start3A_175 = tpu.memref_slice %arg13[%scan3A_165, %dma_start3A_174] : memref<64x128xi32, #tpu.memory_space<vmem>> -> memref<1x128xi32, #tpu.memory_space<vmem>>
        %dma_start3A_176 = tpu.memref_squeeze %dma_start3A_175 : memref<1x128xi32, #tpu.memory_space<vmem>> -> memref<128xi32, #tpu.memory_space<vmem>>
        %dma_start3A_177 = arith.constant 0 : i32
        %dma_start3A_178 = tpu.memref_slice %arg17[%dma_start3A_177] : memref<120832xf32, #tpu.memory_space<vmem_shared>> -> memref<120832xf32, #tpu.memory_space<vmem_shared>>
        tpu.enqueue_indirect_dma source(%arg14 : memref<128xf32, #tpu.memory_space<vmem>>) target(%dma_start3A_178 : memref<120832xf32, #tpu.memory_space<vmem_shared>>) offsets(%dma_start3A_176 : memref<128xi32, #tpu.memory_space<vmem>>) semaphore(%arg21 : memref<!tpu.dma_semaphore, #tpu.memory_space<semaphore_mem>>) {add = true}
      }
      %scan3A_164 = arith.constant 64 : i32
    }
    %scan3A_42 = arith.constant 2 : i32
    %dma_wait3A = arith.constant 0 : i32
    %dma_wait3A_43 = tpu.memref_slice %arg2[%dma_wait3A] : memref<1048576xf32, #tpu.memory_space<hbm>> -> memref<8192xf32, #tpu.memory_space<hbm>>
    %dma_wait3A_44 = arith.constant 0 : i32
    %dma_wait3A_45 = tpu.memref_slice %arg2[%dma_wait3A_44] : memref<1048576xf32, #tpu.memory_space<hbm>> -> memref<8192xf32, #tpu.memory_space<hbm>>
    tpu.wait_dma2 semaphore(%arg18 : memref<!tpu.dma_semaphore, #tpu.memory_space<semaphore_mem>>) src(%dma_wait3A_45 : memref<8192xf32, #tpu.memory_space<hbm>>) dst(%arg6 : memref<8192xf32, #tpu.memory_space<vmem>>)
    %dma_wait3A_46 = arith.constant 0 : i32
    %dma_wait3A_47 = tpu.memref_slice %arg3[%dma_wait3A_46] : memref<1048576xf32, #tpu.memory_space<hbm>> -> memref<8192xf32, #tpu.memory_space<hbm>>
    %dma_wait3A_48 = arith.constant 0 : i32
    %dma_wait3A_49 = tpu.memref_slice %arg3[%dma_wait3A_48] : memref<1048576xf32, #tpu.memory_space<hbm>> -> memref<8192xf32, #tpu.memory_space<hbm>>
    tpu.wait_dma2 semaphore(%arg18 : memref<!tpu.dma_semaphore, #tpu.memory_space<semaphore_mem>>) src(%dma_wait3A_49 : memref<8192xf32, #tpu.memory_space<hbm>>) dst(%arg7 : memref<8192xf32, #tpu.memory_space<vmem>>)
    %dma_wait3A_50 = arith.constant 0 : i32
    %dma_wait3A_51 = tpu.memref_slice %arg4[%dma_wait3A_50] : memref<1048576xf32, #tpu.memory_space<hbm>> -> memref<8192xf32, #tpu.memory_space<hbm>>
    %dma_wait3A_52 = arith.constant 0 : i32
    %dma_wait3A_53 = tpu.memref_slice %arg4[%dma_wait3A_52] : memref<1048576xf32, #tpu.memory_space<hbm>> -> memref<8192xf32, #tpu.memory_space<hbm>>
    tpu.wait_dma2 semaphore(%arg18 : memref<!tpu.dma_semaphore, #tpu.memory_space<semaphore_mem>>) src(%dma_wait3A_53 : memref<8192xf32, #tpu.memory_space<hbm>>) dst(%arg8 : memref<8192xf32, #tpu.memory_space<vmem>>)
    %scan3A_54 = arith.constant 0 : i32
    %scan3A_55 = arith.constant 0 : i32
    %scan3A_56 = arith.constant 64 : i32
    %scan3A_57 = arith.addi %scan3A_55, %scan3A_56 : i32
    %scan3A_58 = arith.constant 1 : i32
    scf.for %scan3A_83 = %scan3A_55 to %scan3A_57 step %scan3A_58  : i32 {
      %mul3A_84 = arith.constant 128 : i32
      %mul3A_85 = arith.muli %scan3A_83, %mul3A_84 : i32
      %dma_wait3A_86 = tpu.memref_slice %arg12[%mul3A_85] : memref<8192xf32, #tpu.memory_space<vmem>> -> memref<128xf32, #tpu.memory_space<vmem>>
      %dma_wait3A_87 = arith.constant 0 : i32
      %dma_wait3A_88 = tpu.memref_slice %arg13[%scan3A_83, %dma_wait3A_87] : memref<64x128xi32, #tpu.memory_space<vmem>> -> memref<1x128xi32, #tpu.memory_space<vmem>>
      %dma_wait3A_89 = tpu.memref_squeeze %dma_wait3A_88 : memref<1x128xi32, #tpu.memory_space<vmem>> -> memref<128xi32, #tpu.memory_space<vmem>>
      %dma_wait3A_90 = arith.constant 0 : i32
      %dma_wait3A_91 = tpu.memref_slice %arg16[%dma_wait3A_90] : memref<120832xf32, #tpu.memory_space<vmem_shared>> -> memref<120832xf32, #tpu.memory_space<vmem_shared>>
      tpu.wait_indirect_dma semaphore(%arg21 : memref<!tpu.dma_semaphore, #tpu.memory_space<semaphore_mem>>) src(%dma_wait3A_86 : memref<128xf32, #tpu.memory_space<vmem>>) dst(%dma_wait3A_91 : memref<120832xf32, #tpu.memory_space<vmem_shared>>)
      %dma_wait3A_92 = arith.constant 0 : i32
      %dma_wait3A_93 = tpu.memref_slice %arg13[%scan3A_83, %dma_wait3A_92] : memref<64x128xi32, #tpu.memory_space<vmem>> -> memref<1x128xi32, #tpu.memory_space<vmem>>
      %dma_wait3A_94 = tpu.memref_squeeze %dma_wait3A_93 : memref<1x128xi32, #tpu.memory_space<vmem>> -> memref<128xi32, #tpu.memory_space<vmem>>
      %dma_wait3A_95 = arith.constant 0 : i32
      %dma_wait3A_96 = tpu.memref_slice %arg17[%dma_wait3A_95] : memref<120832xf32, #tpu.memory_space<vmem_shared>> -> memref<120832xf32, #tpu.memory_space<vmem_shared>>
      tpu.wait_indirect_dma semaphore(%arg21 : memref<!tpu.dma_semaphore, #tpu.memory_space<semaphore_mem>>) src(%arg14 : memref<128xf32, #tpu.memory_space<vmem>>) dst(%dma_wait3A_96 : memref<120832xf32, #tpu.memory_space<vmem_shared>>)
    }
    %scan3A_59 = arith.constant 64 : i32
    %barrier3A_60 = arith.constant 0 : index
    tpu.barrier barrier_id(%barrier3A_60)
    %mul3A_61 = arith.constant 7552 : i32
    %mul3A_62 = arith.muli %arg1, %mul3A_61 : i32
    %mul3A_63 = arith.constant 2 : i32
    %mul3A_64 = arith.muli %arg0, %mul3A_63 : i32
    %add3A_65 = arith.constant 0 : i32
    %add3A_66 = arith.addi %mul3A_64, %add3A_65 : i32
    %mul3A_67 = arith.constant 120832 : i32
    %mul3A_68 = arith.muli %add3A_66, %mul3A_67 : i32
    %mul3A_69 = arith.constant 7552 : i32
    %mul3A_70 = arith.muli %arg1, %mul3A_69 : i32
    %add3A_71 = arith.addi %mul3A_68, %mul3A_70 : i32
    "tpu.region"() ({
      %run_scoped3A = tpu.sem_alloc : memref<!tpu.dma_semaphore, #tpu.memory_space<semaphore_mem>>
      %dma_start3A_83 = tpu.memref_slice %arg5[%add3A_71] : memref<483328xf32, #tpu.memory_space<hbm>> -> memref<7552xf32, #tpu.memory_space<hbm>>
      %dma_start3A_84 = tpu.memref_slice %arg16[%mul3A_62] : memref<120832xf32, #tpu.memory_space<vmem_shared>> -> memref<7552xf32, #tpu.memory_space<vmem_shared>>
      tpu.enqueue_dma source(%dma_start3A_84 : memref<7552xf32, #tpu.memory_space<vmem_shared>>) target(%dma_start3A_83 : memref<7552xf32, #tpu.memory_space<hbm>>) target_semaphore(%run_scoped3A : memref<!tpu.dma_semaphore, #tpu.memory_space<semaphore_mem>>)
      %dma_wait3A_85 = tpu.memref_slice %arg5[%add3A_71] : memref<483328xf32, #tpu.memory_space<hbm>> -> memref<7552xf32, #tpu.memory_space<hbm>>
      %dma_wait3A_86 = tpu.memref_slice %arg16[%mul3A_62] : memref<120832xf32, #tpu.memory_space<vmem_shared>> -> memref<7552xf32, #tpu.memory_space<vmem_shared>>
      tpu.wait_dma2 semaphore(%run_scoped3A : memref<!tpu.dma_semaphore, #tpu.memory_space<semaphore_mem>>) src(%dma_wait3A_86 : memref<7552xf32, #tpu.memory_space<vmem_shared>>) dst(%dma_wait3A_85 : memref<7552xf32, #tpu.memory_space<hbm>>)
      tpu.yield
    }) : () -> ()
    %mul3A_72 = arith.constant 7552 : i32
    %mul3A_73 = arith.muli %arg1, %mul3A_72 : i32
    %mul3A_74 = arith.constant 2 : i32
    %mul3A_75 = arith.muli %arg0, %mul3A_74 : i32
    %add3A_76 = arith.constant 1 : i32
    %add3A_77 = arith.addi %mul3A_75, %add3A_76 : i32
    %mul3A_78 = arith.constant 120832 : i32
    %mul3A_79 = arith.muli %add3A_77, %mul3A_78 : i32
    %mul3A_80 = arith.constant 7552 : i32
    %mul3A_81 = arith.muli %arg1, %mul3A_80 : i32
    %add3A_82 = arith.addi %mul3A_79, %mul3A_81 : i32
    "tpu.region"() ({
      %run_scoped3A = tpu.sem_alloc : memref<!tpu.dma_semaphore, #tpu.memory_space<semaphore_mem>>
      %dma_start3A_83 = tpu.memref_slice %arg5[%add3A_82] : memref<483328xf32, #tpu.memory_space<hbm>> -> memref<7552xf32, #tpu.memory_space<hbm>>
      %dma_start3A_84 = tpu.memref_slice %arg17[%mul3A_73] : memref<120832xf32, #tpu.memory_space<vmem_shared>> -> memref<7552xf32, #tpu.memory_space<vmem_shared>>
      tpu.enqueue_dma source(%dma_start3A_84 : memref<7552xf32, #tpu.memory_space<vmem_shared>>) target(%dma_start3A_83 : memref<7552xf32, #tpu.memory_space<hbm>>) target_semaphore(%run_scoped3A : memref<!tpu.dma_semaphore, #tpu.memory_space<semaphore_mem>>)
      %dma_wait3A_85 = tpu.memref_slice %arg5[%add3A_82] : memref<483328xf32, #tpu.memory_space<hbm>> -> memref<7552xf32, #tpu.memory_space<hbm>>
      %dma_wait3A_86 = tpu.memref_slice %arg17[%mul3A_73] : memref<120832xf32, #tpu.memory_space<vmem_shared>> -> memref<7552xf32, #tpu.memory_space<vmem_shared>>
      tpu.wait_dma2 semaphore(%run_scoped3A : memref<!tpu.dma_semaphore, #tpu.memory_space<semaphore_mem>>) src(%dma_wait3A_86 : memref<7552xf32, #tpu.memory_space<vmem_shared>>) dst(%dma_wait3A_85 : memref<7552xf32, #tpu.memory_space<hbm>>)
      tpu.yield
    }) : () -> ()
    return
  }
}

#map = affine_map<(d0, d1) -> (0)>
module attributes {stable_mosaic.version = 14 : i64} {
  func.func @_max_body(%arg0: i32, %arg1: i32, %arg2: memref<1048576xf32, #tpu.memory_space<hbm>>, %arg3: memref<1048576xf32, #tpu.memory_space<hbm>>, %arg4: memref<1048576xf32, #tpu.memory_space<hbm>>, %arg5: memref<3842048xf32, #tpu.memory_space<hbm>>, %arg6: memref<1024xf32, #tpu.memory_space<vmem>>, %arg7: memref<1024xf32, #tpu.memory_space<vmem>>, %arg8: memref<1024xf32, #tpu.memory_space<vmem>>, %arg9: memref<1024xf32, #tpu.memory_space<vmem>>, %arg10: memref<1024xf32, #tpu.memory_space<vmem>>, %arg11: memref<1024xf32, #tpu.memory_space<vmem>>, %arg12: memref<120064xf32, #tpu.memory_space<vmem>>, %arg13: memref<!tpu.dma_semaphore, #tpu.memory_space<semaphore_mem>>, %arg14: memref<!tpu.dma_semaphore, #tpu.memory_space<semaphore_mem>>) attributes {dimension_semantics = [#tpu.dimension_semantics<core_parallel>, #tpu.dimension_semantics<subcore_parallel>], iteration_bounds = array<i64: 2, 16>, scalar_prefetch = 0 : i64, scratch_operands = 9 : i64, tpu.core_type = #tpu.core_type<sc_vector_subcore>, window_params = [{transform_indices = #map}, {transform_indices = #map}, {transform_indices = #map}, {transform_indices = #map}]} {
    %mul3A = arith.constant 2 : i32
    %mul3A_0 = arith.muli %arg1, %mul3A : i32
    %add3A = arith.addi %mul3A_0, %arg0 : i32
    %mul3A_1 = arith.constant 32768 : i32
    %mul3A_2 = arith.muli %add3A, %mul3A_1 : i32
    %broadcast_in_dim3A = arith.constant 0xFF800000 : f32
    %broadcast_in_dim3A_3 = vector.broadcast %broadcast_in_dim3A : f32 to vector<16xf32>
    %scan3A = arith.constant 0 : i32
    %scan3A_4 = arith.constant 0 : i32
    %scan3A_5 = arith.constant 938 : i32
    %scan3A_6 = arith.addi %scan3A_4, %scan3A_5 : i32
    %scan3A_7 = arith.constant 1 : i32
    scf.for %scan3A_64 = %scan3A_4 to %scan3A_6 step %scan3A_7  : i32 {
      %mul3A_65 = arith.constant 128 : i32
      %mul3A_66 = arith.muli %scan3A_64, %mul3A_65 : i32
      %add3A_67 = arith.constant 0 : i32
      %add3A_68 = arith.addi %mul3A_66, %add3A_67 : i32
      %swap3A = arith.index_cast %add3A_68 : i32 to index
      %swap3A_69 = tpu.vector_load %arg12[%swap3A] {strides = array<i32>} : memref<120064xf32, #tpu.memory_space<vmem>>, vector<16xf32>,
      tpu.vector_store %arg12[%swap3A], %broadcast_in_dim3A_3 {strides = array<i32>} : memref<120064xf32, #tpu.memory_space<vmem>>, vector<16xf32>,
      %mul3A_70 = arith.constant 128 : i32
      %mul3A_71 = arith.muli %scan3A_64, %mul3A_70 : i32
      %add3A_72 = arith.constant 16 : i32
      %add3A_73 = arith.addi %mul3A_71, %add3A_72 : i32
      %swap3A_74 = arith.index_cast %add3A_73 : i32 to index
      %swap3A_75 = tpu.vector_load %arg12[%swap3A_74] {strides = array<i32>} : memref<120064xf32, #tpu.memory_space<vmem>>, vector<16xf32>,
      tpu.vector_store %arg12[%swap3A_74], %broadcast_in_dim3A_3 {strides = array<i32>} : memref<120064xf32, #tpu.memory_space<vmem>>, vector<16xf32>,
      %mul3A_76 = arith.constant 128 : i32
      %mul3A_77 = arith.muli %scan3A_64, %mul3A_76 : i32
      %add3A_78 = arith.constant 32 : i32
      %add3A_79 = arith.addi %mul3A_77, %add3A_78 : i32
      %swap3A_80 = arith.index_cast %add3A_79 : i32 to index
      %swap3A_81 = tpu.vector_load %arg12[%swap3A_80] {strides = array<i32>} : memref<120064xf32, #tpu.memory_space<vmem>>, vector<16xf32>,
      tpu.vector_store %arg12[%swap3A_80], %broadcast_in_dim3A_3 {strides = array<i32>} : memref<120064xf32, #tpu.memory_space<vmem>>, vector<16xf32>,
      %mul3A_82 = arith.constant 128 : i32
      %mul3A_83 = arith.muli %scan3A_64, %mul3A_82 : i32
      %add3A_84 = arith.constant 48 : i32
      %add3A_85 = arith.addi %mul3A_83, %add3A_84 : i32
      %swap3A_86 = arith.index_cast %add3A_85 : i32 to index
      %swap3A_87 = tpu.vector_load %arg12[%swap3A_86] {strides = array<i32>} : memref<120064xf32, #tpu.memory_space<vmem>>, vector<16xf32>,
      tpu.vector_store %arg12[%swap3A_86], %broadcast_in_dim3A_3 {strides = array<i32>} : memref<120064xf32, #tpu.memory_space<vmem>>, vector<16xf32>,
      %mul3A_88 = arith.constant 128 : i32
      %mul3A_89 = arith.muli %scan3A_64, %mul3A_88 : i32
      %add3A_90 = arith.constant 64 : i32
      %add3A_91 = arith.addi %mul3A_89, %add3A_90 : i32
      %swap3A_92 = arith.index_cast %add3A_91 : i32 to index
      %swap3A_93 = tpu.vector_load %arg12[%swap3A_92] {strides = array<i32>} : memref<120064xf32, #tpu.memory_space<vmem>>, vector<16xf32>,
      tpu.vector_store %arg12[%swap3A_92], %broadcast_in_dim3A_3 {strides = array<i32>} : memref<120064xf32, #tpu.memory_space<vmem>>, vector<16xf32>,
      %mul3A_94 = arith.constant 128 : i32
      %mul3A_95 = arith.muli %scan3A_64, %mul3A_94 : i32
      %add3A_96 = arith.constant 80 : i32
      %add3A_97 = arith.addi %mul3A_95, %add3A_96 : i32
      %swap3A_98 = arith.index_cast %add3A_97 : i32 to index
      %swap3A_99 = tpu.vector_load %arg12[%swap3A_98] {strides = array<i32>} : memref<120064xf32, #tpu.memory_space<vmem>>, vector<16xf32>,
      tpu.vector_store %arg12[%swap3A_98], %broadcast_in_dim3A_3 {strides = array<i32>} : memref<120064xf32, #tpu.memory_space<vmem>>, vector<16xf32>,
      %mul3A_100 = arith.constant 128 : i32
      %mul3A_101 = arith.muli %scan3A_64, %mul3A_100 : i32
      %add3A_102 = arith.constant 96 : i32
      %add3A_103 = arith.addi %mul3A_101, %add3A_102 : i32
      %swap3A_104 = arith.index_cast %add3A_103 : i32 to index
      %swap3A_105 = tpu.vector_load %arg12[%swap3A_104] {strides = array<i32>} : memref<120064xf32, #tpu.memory_space<vmem>>, vector<16xf32>,
      tpu.vector_store %arg12[%swap3A_104], %broadcast_in_dim3A_3 {strides = array<i32>} : memref<120064xf32, #tpu.memory_space<vmem>>, vector<16xf32>,
      %mul3A_106 = arith.constant 128 : i32
      %mul3A_107 = arith.muli %scan3A_64, %mul3A_106 : i32
      %add3A_108 = arith.constant 112 : i32
      %add3A_109 = arith.addi %mul3A_107, %add3A_108 : i32
      %swap3A_110 = arith.index_cast %add3A_109 : i32 to index
      %swap3A_111 = tpu.vector_load %arg12[%swap3A_110] {strides = array<i32>} : memref<120064xf32, #tpu.memory_space<vmem>>, vector<16xf32>,
      tpu.vector_store %arg12[%swap3A_110], %broadcast_in_dim3A_3 {strides = array<i32>} : memref<120064xf32, #tpu.memory_space<vmem>>, vector<16xf32>,
    }
    %scan3A_8 = arith.constant 938 : i32
    %iota3A = tpu.iota {dimensions = array<i32: 0>} : vector<16xi32>
    %sub3A = arith.constant 1 : i32
    %sub3A_9 = vector.broadcast %sub3A : i32 to vector<16xi32>
    %sub3A_10 = arith.subi %iota3A, %sub3A_9 : vector<16xi32>
    %max3A = arith.constant 0 : i32
    %max3A_11 = vector.broadcast %max3A : i32 to vector<16xi32>
    %max3A_12 = arith.maxsi %sub3A_10, %max3A_11 : vector<16xi32>
    %sub3A_13 = arith.constant 2 : i32
    %sub3A_14 = vector.broadcast %sub3A_13 : i32 to vector<16xi32>
    %sub3A_15 = arith.subi %iota3A, %sub3A_14 : vector<16xi32>
    %max3A_16 = arith.constant 0 : i32
    %max3A_17 = vector.broadcast %max3A_16 : i32 to vector<16xi32>
    %max3A_18 = arith.maxsi %sub3A_15, %max3A_17 : vector<16xi32>
    %sub3A_19 = arith.constant 4 : i32
    %sub3A_20 = vector.broadcast %sub3A_19 : i32 to vector<16xi32>
    %sub3A_21 = arith.subi %iota3A, %sub3A_20 : vector<16xi32>
    %max3A_22 = arith.constant 0 : i32
    %max3A_23 = vector.broadcast %max3A_22 : i32 to vector<16xi32>
    %max3A_24 = arith.maxsi %sub3A_21, %max3A_23 : vector<16xi32>
    %sub3A_25 = arith.constant 8 : i32
    %sub3A_26 = vector.broadcast %sub3A_25 : i32 to vector<16xi32>
    %sub3A_27 = arith.subi %iota3A, %sub3A_26 : vector<16xi32>
    %max3A_28 = arith.constant 0 : i32
    %max3A_29 = vector.broadcast %max3A_28 : i32 to vector<16xi32>
    %max3A_30 = arith.maxsi %sub3A_27, %max3A_29 : vector<16xi32>
    %add3A_31 = arith.constant 1 : i32
    %add3A_32 = vector.broadcast %add3A_31 : i32 to vector<16xi32>
    %add3A_33 = arith.addi %iota3A, %add3A_32 : vector<16xi32>
    %min3A = arith.constant 15 : i32
    %min3A_34 = vector.broadcast %min3A : i32 to vector<16xi32>
    %min3A_35 = arith.minsi %add3A_33, %min3A_34 : vector<16xi32>
    %eq3A = arith.constant 15 : i32
    %eq3A_36 = vector.broadcast %eq3A : i32 to vector<16xi32>
    %eq3A_37 = arith.cmpi eq, %iota3A, %eq3A_36 : vector<16xi32>
    %add3A_38 = arith.constant 0 : i32
    %add3A_39 = arith.addi %mul3A_2, %add3A_38 : i32
    %dma_start3A = tpu.memref_slice %arg2[%add3A_39] : memref<1048576xf32, #tpu.memory_space<hbm>> -> memref<1024xf32, #tpu.memory_space<hbm>>
    %dma_start3A_40 = tpu.memref_slice %arg2[%add3A_39] : memref<1048576xf32, #tpu.memory_space<hbm>> -> memref<1024xf32, #tpu.memory_space<hbm>>
    tpu.enqueue_dma source(%dma_start3A_40 : memref<1024xf32, #tpu.memory_space<hbm>>) target(%arg6 : memref<1024xf32, #tpu.memory_space<vmem>>) target_semaphore(%arg13 : memref<!tpu.dma_semaphore, #tpu.memory_space<semaphore_mem>>)
    %dma_start3A_41 = tpu.memref_slice %arg3[%add3A_39] : memref<1048576xf32, #tpu.memory_space<hbm>> -> memref<1024xf32, #tpu.memory_space<hbm>>
    %dma_start3A_42 = tpu.memref_slice %arg3[%add3A_39] : memref<1048576xf32, #tpu.memory_space<hbm>> -> memref<1024xf32, #tpu.memory_space<hbm>>
    tpu.enqueue_dma source(%dma_start3A_42 : memref<1024xf32, #tpu.memory_space<hbm>>) target(%arg7 : memref<1024xf32, #tpu.memory_space<vmem>>) target_semaphore(%arg13 : memref<!tpu.dma_semaphore, #tpu.memory_space<semaphore_mem>>)
    %dma_start3A_43 = tpu.memref_slice %arg4[%add3A_39] : memref<1048576xf32, #tpu.memory_space<hbm>> -> memref<1024xf32, #tpu.memory_space<hbm>>
    %dma_start3A_44 = tpu.memref_slice %arg4[%add3A_39] : memref<1048576xf32, #tpu.memory_space<hbm>> -> memref<1024xf32, #tpu.memory_space<hbm>>
    tpu.enqueue_dma source(%dma_start3A_44 : memref<1024xf32, #tpu.memory_space<hbm>>) target(%arg8 : memref<1024xf32, #tpu.memory_space<vmem>>) target_semaphore(%arg13 : memref<!tpu.dma_semaphore, #tpu.memory_space<semaphore_mem>>)
    %scan3A_45 = arith.constant 0 : i32
    %scan3A_46 = arith.constant 0 : i32
    %scan3A_47 = arith.constant 16 : i32
    %scan3A_48 = arith.addi %scan3A_46, %scan3A_47 : i32
    %scan3A_49 = arith.constant 1 : i32
    scf.for %scan3A_64 = %scan3A_46 to %scan3A_48 step %scan3A_49  : i32 {
      %mul3A_65 = arith.constant 2 : i32
      %mul3A_66 = arith.muli %mul3A_65, %scan3A_64 : i32
      %add3A_67 = arith.constant 1 : i32
      %add3A_68 = arith.addi %mul3A_66, %add3A_67 : i32
      %mul3A_69 = arith.constant 1024 : i32
      %mul3A_70 = arith.muli %add3A_68, %mul3A_69 : i32
      %add3A_71 = arith.addi %mul3A_2, %mul3A_70 : i32
      %dma_start3A_72 = tpu.memref_slice %arg2[%add3A_71] : memref<1048576xf32, #tpu.memory_space<hbm>> -> memref<1024xf32, #tpu.memory_space<hbm>>
      %dma_start3A_73 = tpu.memref_slice %arg2[%add3A_71] : memref<1048576xf32, #tpu.memory_space<hbm>> -> memref<1024xf32, #tpu.memory_space<hbm>>
      tpu.enqueue_dma source(%dma_start3A_73 : memref<1024xf32, #tpu.memory_space<hbm>>) target(%arg9 : memref<1024xf32, #tpu.memory_space<vmem>>) target_semaphore(%arg14 : memref<!tpu.dma_semaphore, #tpu.memory_space<semaphore_mem>>)
      %dma_start3A_74 = tpu.memref_slice %arg3[%add3A_71] : memref<1048576xf32, #tpu.memory_space<hbm>> -> memref<1024xf32, #tpu.memory_space<hbm>>
      %dma_start3A_75 = tpu.memref_slice %arg3[%add3A_71] : memref<1048576xf32, #tpu.memory_space<hbm>> -> memref<1024xf32, #tpu.memory_space<hbm>>
      tpu.enqueue_dma source(%dma_start3A_75 : memref<1024xf32, #tpu.memory_space<hbm>>) target(%arg10 : memref<1024xf32, #tpu.memory_space<vmem>>) target_semaphore(%arg14 : memref<!tpu.dma_semaphore, #tpu.memory_space<semaphore_mem>>)
      %dma_start3A_76 = tpu.memref_slice %arg4[%add3A_71] : memref<1048576xf32, #tpu.memory_space<hbm>> -> memref<1024xf32, #tpu.memory_space<hbm>>
      %dma_start3A_77 = tpu.memref_slice %arg4[%add3A_71] : memref<1048576xf32, #tpu.memory_space<hbm>> -> memref<1024xf32, #tpu.memory_space<hbm>>
      tpu.enqueue_dma source(%dma_start3A_77 : memref<1024xf32, #tpu.memory_space<hbm>>) target(%arg11 : memref<1024xf32, #tpu.memory_space<vmem>>) target_semaphore(%arg14 : memref<!tpu.dma_semaphore, #tpu.memory_space<semaphore_mem>>)
      %dma_wait3A_78 = arith.constant 0 : i32
      %dma_wait3A_79 = tpu.memref_slice %arg2[%dma_wait3A_78] : memref<1048576xf32, #tpu.memory_space<hbm>> -> memref<1024xf32, #tpu.memory_space<hbm>>
      %dma_wait3A_80 = arith.constant 0 : i32
      %dma_wait3A_81 = tpu.memref_slice %arg2[%dma_wait3A_80] : memref<1048576xf32, #tpu.memory_space<hbm>> -> memref<1024xf32, #tpu.memory_space<hbm>>
      tpu.wait_dma2 semaphore(%arg13 : memref<!tpu.dma_semaphore, #tpu.memory_space<semaphore_mem>>) src(%dma_wait3A_81 : memref<1024xf32, #tpu.memory_space<hbm>>) dst(%arg6 : memref<1024xf32, #tpu.memory_space<vmem>>)
      %dma_wait3A_82 = arith.constant 0 : i32
      %dma_wait3A_83 = tpu.memref_slice %arg3[%dma_wait3A_82] : memref<1048576xf32, #tpu.memory_space<hbm>> -> memref<1024xf32, #tpu.memory_space<hbm>>
      %dma_wait3A_84 = arith.constant 0 : i32
      %dma_wait3A_85 = tpu.memref_slice %arg3[%dma_wait3A_84] : memref<1048576xf32, #tpu.memory_space<hbm>> -> memref<1024xf32, #tpu.memory_space<hbm>>
      tpu.wait_dma2 semaphore(%arg13 : memref<!tpu.dma_semaphore, #tpu.memory_space<semaphore_mem>>) src(%dma_wait3A_85 : memref<1024xf32, #tpu.memory_space<hbm>>) dst(%arg7 : memref<1024xf32, #tpu.memory_space<vmem>>)
      %dma_wait3A_86 = arith.constant 0 : i32
      %dma_wait3A_87 = tpu.memref_slice %arg4[%dma_wait3A_86] : memref<1048576xf32, #tpu.memory_space<hbm>> -> memref<1024xf32, #tpu.memory_space<hbm>>
      %dma_wait3A_88 = arith.constant 0 : i32
      %dma_wait3A_89 = tpu.memref_slice %arg4[%dma_wait3A_88] : memref<1048576xf32, #tpu.memory_space<hbm>> -> memref<1024xf32, #tpu.memory_space<hbm>>
      tpu.wait_dma2 semaphore(%arg13 : memref<!tpu.dma_semaphore, #tpu.memory_space<semaphore_mem>>) src(%dma_wait3A_89 : memref<1024xf32, #tpu.memory_space<hbm>>) dst(%arg8 : memref<1024xf32, #tpu.memory_space<vmem>>)
      %scan3A_90 = arith.constant 0 : i32
      %scan3A_91 = arith.constant 0 : i32
      %scan3A_92 = arith.constant 64 : i32
      %scan3A_93 = arith.addi %scan3A_91, %scan3A_92 : i32
      %scan3A_94 = arith.constant 1 : i32
      scf.for %scan3A_127 = %scan3A_91 to %scan3A_93 step %scan3A_94  : i32 {
        %mul3A_128 = arith.constant 16 : i32
        %mul3A_129 = arith.muli %scan3A_127, %mul3A_128 : i32
        %get3A = arith.index_cast %mul3A_129 : i32 to index
        %get3A_130 = tpu.vector_load %arg6[%get3A] {strides = array<i32>} : memref<1024xf32, #tpu.memory_space<vmem>>, vector<16xf32>,
        %mul3A_131 = arith.constant 16 : i32
        %mul3A_132 = arith.muli %scan3A_127, %mul3A_131 : i32
        %get3A_133 = arith.index_cast %mul3A_132 : i32 to index
        %get3A_134 = tpu.vector_load %arg7[%get3A_133] {strides = array<i32>} : memref<1024xf32, #tpu.memory_space<vmem>>, vector<16xf32>,
        %mul3A_135 = arith.constant 16 : i32
        %mul3A_136 = arith.muli %scan3A_127, %mul3A_135 : i32
        %get3A_137 = arith.index_cast %mul3A_136 : i32 to index
        %get3A_138 = tpu.vector_load %arg8[%get3A_137] {strides = array<i32>} : memref<1024xf32, #tpu.memory_space<vmem>>, vector<16xf32>,
        %ge3A = arith.constant -2.000000e+01 : f32
        %ge3A_139 = vector.broadcast %ge3A : f32 to vector<16xf32>
        %ge3A_140 = arith.cmpf oge, %get3A_130, %ge3A_139 : vector<16xf32>
        %lt3A = arith.constant 2.000000e+01 : f32
        %lt3A_141 = vector.broadcast %lt3A : f32 to vector<16xf32>
        %lt3A_142 = arith.cmpf olt, %get3A_130, %lt3A_141 : vector<16xf32>
        %and3A = arith.andi %ge3A_140, %lt3A_142 : vector<16xi1>
        %ge3A_143 = arith.constant -1.000000e+01 : f32
        %ge3A_144 = vector.broadcast %ge3A_143 : f32 to vector<16xf32>
        %ge3A_145 = arith.cmpf oge, %get3A_134, %ge3A_144 : vector<16xf32>
        %and3A_146 = arith.andi %and3A, %ge3A_145 : vector<16xi1>
        %lt3A_147 = arith.constant 3.000000e+01 : f32
        %lt3A_148 = vector.broadcast %lt3A_147 : f32 to vector<16xf32>
        %lt3A_149 = arith.cmpf olt, %get3A_134, %lt3A_148 : vector<16xf32>
        %and3A_150 = arith.andi %and3A_146, %lt3A_149 : vector<16xi1>
        %sub3A_151 = arith.constant -2.000000e+01 : f32
        %sub3A_152 = vector.broadcast %sub3A_151 : f32 to vector<16xf32>
        %sub3A_153 = arith.subf %get3A_130, %sub3A_152 : vector<16xf32>
        %div3A = arith.constant 1.000000e-01 : f32
        %div3A_154 = vector.broadcast %div3A : f32 to vector<16xf32>
        %div3A_155 = arith.divf %sub3A_153, %div3A_154 : vector<16xf32>
        %convert_element_type3A = arith.fptosi %div3A_155 : vector<16xf32> to vector<16xi32>
        %jit3A = arith.constant 0 : i32
        %jit3A_156 = arith.constant 399 : i32
        %max3A_157 = vector.broadcast %jit3A : i32 to vector<16xi32>
        %max3A_158 = arith.maxsi %max3A_157, %convert_element_type3A : vector<16xi32>
        %min3A_159 = vector.broadcast %jit3A_156 : i32 to vector<16xi32>
        %min3A_160 = arith.minsi %min3A_159, %max3A_158 : vector<16xi32>
        %sub3A_161 = arith.constant -1.000000e+01 : f32
        %sub3A_162 = vector.broadcast %sub3A_161 : f32 to vector<16xf32>
        %sub3A_163 = arith.subf %get3A_134, %sub3A_162 : vector<16xf32>
        %div3A_164 = arith.constant 1.000000e-01 : f32
        %div3A_165 = vector.broadcast %div3A_164 : f32 to vector<16xf32>
        %div3A_166 = arith.divf %sub3A_163, %div3A_165 : vector<16xf32>
        %convert_element_type3A_167 = arith.fptosi %div3A_166 : vector<16xf32> to vector<16xi32>
        %jit3A_168 = arith.constant 0 : i32
        %jit3A_169 = arith.constant 299 : i32
        %max3A_170 = vector.broadcast %jit3A_168 : i32 to vector<16xi32>
        %max3A_171 = arith.maxsi %max3A_170, %convert_element_type3A_167 : vector<16xi32>
        %min3A_172 = vector.broadcast %jit3A_169 : i32 to vector<16xi32>
        %min3A_173 = arith.minsi %min3A_172, %max3A_171 : vector<16xi32>
        %mul3A_174 = arith.constant 400 : i32
        %mul3A_175 = vector.broadcast %mul3A_174 : i32 to vector<16xi32>
        %mul3A_176 = arith.muli %min3A_173, %mul3A_175 : vector<16xi32>
        %add3A_177 = arith.addi %mul3A_176, %min3A_160 : vector<16xi32>
        %jit3A_178 = arith.constant 120000 : i32
        %broadcast_in_dim3A_179 = vector.broadcast %jit3A_178 : i32 to vector<16xi32>
        %select_n3A = arith.select %and3A_150, %add3A_177, %broadcast_in_dim3A_179 : vector<16xi1>, vector<16xi32>
        %masked_sort3A = arith.constant dense<true> : vector<16xi1>
        %masked_sort3A_180 = arith.constant -2147483648 : i32
        %masked_sort3A_181 = vector.broadcast %masked_sort3A_180 : i32 to vector<16xi32>
        %masked_sort3A_182 = arith.xori %select_n3A, %masked_sort3A_181 : vector<16xi32>
        %masked_sort3A_183, %masked_sort3A_184, %masked_sort3A_185 = tpu.sort %masked_sort3A_182, %get3A_138 masked %masked_sort3A : (vector<16xi32>, vector<16xf32>, vector<16xi1>) -> (vector<16xi1>, vector<16xi32>, vector<16xf32>)
        %masked_sort3A_186 = arith.xori %masked_sort3A_184, %masked_sort3A_181 : vector<16xi32>
        %lt3A_187 = arith.constant 0 : i32
        %lt3A_188 = vector.broadcast %lt3A_187 : i32 to vector<16xi32>
        %lt3A_189 = arith.cmpi slt, %max3A_12, %lt3A_188 : vector<16xi32>
        %add3A_190 = arith.constant 16 : i32
        %add3A_191 = vector.broadcast %add3A_190 : i32 to vector<16xi32>
        %add3A_192 = arith.addi %max3A_12, %add3A_191 : vector<16xi32>
        %select_n3A_193 = arith.select %lt3A_189, %add3A_192, %max3A_12 : vector<16xi1>, vector<16xi32>
        %reshape3A = vector.shape_cast %select_n3A_193 : vector<16xi32> to vector<16x1xi32>
        %gather3A = vector.shape_cast %reshape3A : vector<16x1xi32> to vector<16xi32>
        %gather3A_194 = tpu.dynamic_gather %masked_sort3A_186[%gather3A] in [0] : vector<16xi32>, vector<16xi32> -> vector<16xi32>
        %lt3A_195 = arith.constant 0 : i32
        %lt3A_196 = vector.broadcast %lt3A_195 : i32 to vector<16xi32>
        %lt3A_197 = arith.cmpi slt, %max3A_12, %lt3A_196 : vector<16xi32>
        %add3A_198 = arith.constant 16 : i32
        %add3A_199 = vector.broadcast %add3A_198 : i32 to vector<16xi32>
        %add3A_200 = arith.addi %max3A_12, %add3A_199 : vector<16xi32>
        %select_n3A_201 = arith.select %lt3A_197, %add3A_200, %max3A_12 : vector<16xi1>, vector<16xi32>
        %reshape3A_202 = vector.shape_cast %select_n3A_201 : vector<16xi32> to vector<16x1xi32>
        %gather3A_203 = vector.shape_cast %reshape3A_202 : vector<16x1xi32> to vector<16xi32>
        %gather3A_204 = tpu.dynamic_gather %masked_sort3A_185[%gather3A_203] in [0] : vector<16xf32>, vector<16xi32> -> vector<16xf32>
        %eq3A_205 = arith.cmpi eq, %gather3A_194, %masked_sort3A_186 : vector<16xi32>
        %max3A_206 = arith.maximumf %masked_sort3A_185, %gather3A_204 : vector<16xf32>
        %select_n3A_207 = arith.select %eq3A_205, %max3A_206, %masked_sort3A_185 : vector<16xi1>, vector<16xf32>
        %lt3A_208 = arith.constant 0 : i32
        %lt3A_209 = vector.broadcast %lt3A_208 : i32 to vector<16xi32>
        %lt3A_210 = arith.cmpi slt, %max3A_18, %lt3A_209 : vector<16xi32>
        %add3A_211 = arith.constant 16 : i32
        %add3A_212 = vector.broadcast %add3A_211 : i32 to vector<16xi32>
        %add3A_213 = arith.addi %max3A_18, %add3A_212 : vector<16xi32>
        %select_n3A_214 = arith.select %lt3A_210, %add3A_213, %max3A_18 : vector<16xi1>, vector<16xi32>
        %reshape3A_215 = vector.shape_cast %select_n3A_214 : vector<16xi32> to vector<16x1xi32>
        %gather3A_216 = vector.shape_cast %reshape3A_215 : vector<16x1xi32> to vector<16xi32>
        %gather3A_217 = tpu.dynamic_gather %masked_sort3A_186[%gather3A_216] in [0] : vector<16xi32>, vector<16xi32> -> vector<16xi32>
        %lt3A_218 = arith.constant 0 : i32
        %lt3A_219 = vector.broadcast %lt3A_218 : i32 to vector<16xi32>
        %lt3A_220 = arith.cmpi slt, %max3A_18, %lt3A_219 : vector<16xi32>
        %add3A_221 = arith.constant 16 : i32
        %add3A_222 = vector.broadcast %add3A_221 : i32 to vector<16xi32>
        %add3A_223 = arith.addi %max3A_18, %add3A_222 : vector<16xi32>
        %select_n3A_224 = arith.select %lt3A_220, %add3A_223, %max3A_18 : vector<16xi1>, vector<16xi32>
        %reshape3A_225 = vector.shape_cast %select_n3A_224 : vector<16xi32> to vector<16x1xi32>
        %gather3A_226 = vector.shape_cast %reshape3A_225 : vector<16x1xi32> to vector<16xi32>
        %gather3A_227 = tpu.dynamic_gather %select_n3A_207[%gather3A_226] in [0] : vector<16xf32>, vector<16xi32> -> vector<16xf32>
        %eq3A_228 = arith.cmpi eq, %gather3A_217, %masked_sort3A_186 : vector<16xi32>
        %max3A_229 = arith.maximumf %select_n3A_207, %gather3A_227 : vector<16xf32>
        %select_n3A_230 = arith.select %eq3A_228, %max3A_229, %select_n3A_207 : vector<16xi1>, vector<16xf32>
        %lt3A_231 = arith.constant 0 : i32
        %lt3A_232 = vector.broadcast %lt3A_231 : i32 to vector<16xi32>
        %lt3A_233 = arith.cmpi slt, %max3A_24, %lt3A_232 : vector<16xi32>
        %add3A_234 = arith.constant 16 : i32
        %add3A_235 = vector.broadcast %add3A_234 : i32 to vector<16xi32>
        %add3A_236 = arith.addi %max3A_24, %add3A_235 : vector<16xi32>
        %select_n3A_237 = arith.select %lt3A_233, %add3A_236, %max3A_24 : vector<16xi1>, vector<16xi32>
        %reshape3A_238 = vector.shape_cast %select_n3A_237 : vector<16xi32> to vector<16x1xi32>
        %gather3A_239 = vector.shape_cast %reshape3A_238 : vector<16x1xi32> to vector<16xi32>
        %gather3A_240 = tpu.dynamic_gather %masked_sort3A_186[%gather3A_239] in [0] : vector<16xi32>, vector<16xi32> -> vector<16xi32>
        %lt3A_241 = arith.constant 0 : i32
        %lt3A_242 = vector.broadcast %lt3A_241 : i32 to vector<16xi32>
        %lt3A_243 = arith.cmpi slt, %max3A_24, %lt3A_242 : vector<16xi32>
        %add3A_244 = arith.constant 16 : i32
        %add3A_245 = vector.broadcast %add3A_244 : i32 to vector<16xi32>
        %add3A_246 = arith.addi %max3A_24, %add3A_245 : vector<16xi32>
        %select_n3A_247 = arith.select %lt3A_243, %add3A_246, %max3A_24 : vector<16xi1>, vector<16xi32>
        %reshape3A_248 = vector.shape_cast %select_n3A_247 : vector<16xi32> to vector<16x1xi32>
        %gather3A_249 = vector.shape_cast %reshape3A_248 : vector<16x1xi32> to vector<16xi32>
        %gather3A_250 = tpu.dynamic_gather %select_n3A_230[%gather3A_249] in [0] : vector<16xf32>, vector<16xi32> -> vector<16xf32>
        %eq3A_251 = arith.cmpi eq, %gather3A_240, %masked_sort3A_186 : vector<16xi32>
        %max3A_252 = arith.maximumf %select_n3A_230, %gather3A_250 : vector<16xf32>
        %select_n3A_253 = arith.select %eq3A_251, %max3A_252, %select_n3A_230 : vector<16xi1>, vector<16xf32>
        %lt3A_254 = arith.constant 0 : i32
        %lt3A_255 = vector.broadcast %lt3A_254 : i32 to vector<16xi32>
        %lt3A_256 = arith.cmpi slt, %max3A_30, %lt3A_255 : vector<16xi32>
        %add3A_257 = arith.constant 16 : i32
        %add3A_258 = vector.broadcast %add3A_257 : i32 to vector<16xi32>
        %add3A_259 = arith.addi %max3A_30, %add3A_258 : vector<16xi32>
        %select_n3A_260 = arith.select %lt3A_256, %add3A_259, %max3A_30 : vector<16xi1>, vector<16xi32>
        %reshape3A_261 = vector.shape_cast %select_n3A_260 : vector<16xi32> to vector<16x1xi32>
        %gather3A_262 = vector.shape_cast %reshape3A_261 : vector<16x1xi32> to vector<16xi32>
        %gather3A_263 = tpu.dynamic_gather %masked_sort3A_186[%gather3A_262] in [0] : vector<16xi32>, vector<16xi32> -> vector<16xi32>
        %lt3A_264 = arith.constant 0 : i32
        %lt3A_265 = vector.broadcast %lt3A_264 : i32 to vector<16xi32>
        %lt3A_266 = arith.cmpi slt, %max3A_30, %lt3A_265 : vector<16xi32>
        %add3A_267 = arith.constant 16 : i32
        %add3A_268 = vector.broadcast %add3A_267 : i32 to vector<16xi32>
        %add3A_269 = arith.addi %max3A_30, %add3A_268 : vector<16xi32>
        %select_n3A_270 = arith.select %lt3A_266, %add3A_269, %max3A_30 : vector<16xi1>, vector<16xi32>
        %reshape3A_271 = vector.shape_cast %select_n3A_270 : vector<16xi32> to vector<16x1xi32>
        %gather3A_272 = vector.shape_cast %reshape3A_271 : vector<16x1xi32> to vector<16xi32>
        %gather3A_273 = tpu.dynamic_gather %select_n3A_253[%gather3A_272] in [0] : vector<16xf32>, vector<16xi32> -> vector<16xf32>
        %eq3A_274 = arith.cmpi eq, %gather3A_263, %masked_sort3A_186 : vector<16xi32>
        %max3A_275 = arith.maximumf %select_n3A_253, %gather3A_273 : vector<16xf32>
        %select_n3A_276 = arith.select %eq3A_274, %max3A_275, %select_n3A_253 : vector<16xi1>, vector<16xf32>
        %lt3A_277 = arith.constant 0 : i32
        %lt3A_278 = vector.broadcast %lt3A_277 : i32 to vector<16xi32>
        %lt3A_279 = arith.cmpi slt, %min3A_35, %lt3A_278 : vector<16xi32>
        %add3A_280 = arith.constant 16 : i32
        %add3A_281 = vector.broadcast %add3A_280 : i32 to vector<16xi32>
        %add3A_282 = arith.addi %min3A_35, %add3A_281 : vector<16xi32>
        %select_n3A_283 = arith.select %lt3A_279, %add3A_282, %min3A_35 : vector<16xi1>, vector<16xi32>
        %reshape3A_284 = vector.shape_cast %select_n3A_283 : vector<16xi32> to vector<16x1xi32>
        %gather3A_285 = vector.shape_cast %reshape3A_284 : vector<16x1xi32> to vector<16xi32>
        %gather3A_286 = tpu.dynamic_gather %masked_sort3A_186[%gather3A_285] in [0] : vector<16xi32>, vector<16xi32> -> vector<16xi32>
        %ne3A = arith.cmpi ne, %gather3A_286, %masked_sort3A_186 : vector<16xi32>
        %or3A = arith.ori %ne3A, %eq3A_37 : vector<16xi1>
        %gather3A_287 = tpu.vector_load_idx %arg12[%masked_sort3A_186] : memref<120064xf32, #tpu.memory_space<vmem>>[vector<16xi32>], vector<16xf32>,
        %max3A_288 = arith.maximumf %gather3A_287, %select_n3A_276 : vector<16xf32>
        tpu.vector_store_idx %arg12[%masked_sort3A_186], %max3A_288 masked %or3A : memref<120064xf32, #tpu.memory_space<vmem>>[vector<16xi32>], vector<16xf32>, vector<16xi1>
      }
      %scan3A_95 = arith.constant 64 : i32
      %add3A_96 = arith.constant 2 : i32
      %add3A_97 = arith.addi %mul3A_66, %add3A_96 : i32
      %min3A_98 = arith.constant 31 : i32
      %min3A_99 = arith.minsi %add3A_97, %min3A_98 : i32
      %mul3A_100 = arith.constant 1024 : i32
      %mul3A_101 = arith.muli %min3A_99, %mul3A_100 : i32
      %add3A_102 = arith.addi %mul3A_2, %mul3A_101 : i32
      %dma_start3A_103 = tpu.memref_slice %arg2[%add3A_102] : memref<1048576xf32, #tpu.memory_space<hbm>> -> memref<1024xf32, #tpu.memory_space<hbm>>
      %dma_start3A_104 = tpu.memref_slice %arg2[%add3A_102] : memref<1048576xf32, #tpu.memory_space<hbm>> -> memref<1024xf32, #tpu.memory_space<hbm>>
      tpu.enqueue_dma source(%dma_start3A_104 : memref<1024xf32, #tpu.memory_space<hbm>>) target(%arg6 : memref<1024xf32, #tpu.memory_space<vmem>>) target_semaphore(%arg13 : memref<!tpu.dma_semaphore, #tpu.memory_space<semaphore_mem>>)
      %dma_start3A_105 = tpu.memref_slice %arg3[%add3A_102] : memref<1048576xf32, #tpu.memory_space<hbm>> -> memref<1024xf32, #tpu.memory_space<hbm>>
      %dma_start3A_106 = tpu.memref_slice %arg3[%add3A_102] : memref<1048576xf32, #tpu.memory_space<hbm>> -> memref<1024xf32, #tpu.memory_space<hbm>>
      tpu.enqueue_dma source(%dma_start3A_106 : memref<1024xf32, #tpu.memory_space<hbm>>) target(%arg7 : memref<1024xf32, #tpu.memory_space<vmem>>) target_semaphore(%arg13 : memref<!tpu.dma_semaphore, #tpu.memory_space<semaphore_mem>>)
      %dma_start3A_107 = tpu.memref_slice %arg4[%add3A_102] : memref<1048576xf32, #tpu.memory_space<hbm>> -> memref<1024xf32, #tpu.memory_space<hbm>>
      %dma_start3A_108 = tpu.memref_slice %arg4[%add3A_102] : memref<1048576xf32, #tpu.memory_space<hbm>> -> memref<1024xf32, #tpu.memory_space<hbm>>
      tpu.enqueue_dma source(%dma_start3A_108 : memref<1024xf32, #tpu.memory_space<hbm>>) target(%arg8 : memref<1024xf32, #tpu.memory_space<vmem>>) target_semaphore(%arg13 : memref<!tpu.dma_semaphore, #tpu.memory_space<semaphore_mem>>)
      %dma_wait3A_109 = arith.constant 0 : i32
      %dma_wait3A_110 = tpu.memref_slice %arg2[%dma_wait3A_109] : memref<1048576xf32, #tpu.memory_space<hbm>> -> memref<1024xf32, #tpu.memory_space<hbm>>
      %dma_wait3A_111 = arith.constant 0 : i32
      %dma_wait3A_112 = tpu.memref_slice %arg2[%dma_wait3A_111] : memref<1048576xf32, #tpu.memory_space<hbm>> -> memref<1024xf32, #tpu.memory_space<hbm>>
      tpu.wait_dma2 semaphore(%arg14 : memref<!tpu.dma_semaphore, #tpu.memory_space<semaphore_mem>>) src(%dma_wait3A_112 : memref<1024xf32, #tpu.memory_space<hbm>>) dst(%arg9 : memref<1024xf32, #tpu.memory_space<vmem>>)
      %dma_wait3A_113 = arith.constant 0 : i32
      %dma_wait3A_114 = tpu.memref_slice %arg3[%dma_wait3A_113] : memref<1048576xf32, #tpu.memory_space<hbm>> -> memref<1024xf32, #tpu.memory_space<hbm>>
      %dma_wait3A_115 = arith.constant 0 : i32
      %dma_wait3A_116 = tpu.memref_slice %arg3[%dma_wait3A_115] : memref<1048576xf32, #tpu.memory_space<hbm>> -> memref<1024xf32, #tpu.memory_space<hbm>>
      tpu.wait_dma2 semaphore(%arg14 : memref<!tpu.dma_semaphore, #tpu.memory_space<semaphore_mem>>) src(%dma_wait3A_116 : memref<1024xf32, #tpu.memory_space<hbm>>) dst(%arg10 : memref<1024xf32, #tpu.memory_space<vmem>>)
      %dma_wait3A_117 = arith.constant 0 : i32
      %dma_wait3A_118 = tpu.memref_slice %arg4[%dma_wait3A_117] : memref<1048576xf32, #tpu.memory_space<hbm>> -> memref<1024xf32, #tpu.memory_space<hbm>>
      %dma_wait3A_119 = arith.constant 0 : i32
      %dma_wait3A_120 = tpu.memref_slice %arg4[%dma_wait3A_119] : memref<1048576xf32, #tpu.memory_space<hbm>> -> memref<1024xf32, #tpu.memory_space<hbm>>
      tpu.wait_dma2 semaphore(%arg14 : memref<!tpu.dma_semaphore, #tpu.memory_space<semaphore_mem>>) src(%dma_wait3A_120 : memref<1024xf32, #tpu.memory_space<hbm>>) dst(%arg11 : memref<1024xf32, #tpu.memory_space<vmem>>)
      %scan3A_121 = arith.constant 0 : i32
      %scan3A_122 = arith.constant 0 : i32
      %scan3A_123 = arith.constant 64 : i32
      %scan3A_124 = arith.addi %scan3A_122, %scan3A_123 : i32
      %scan3A_125 = arith.constant 1 : i32
      scf.for %scan3A_127 = %scan3A_122 to %scan3A_124 step %scan3A_125  : i32 {
        %mul3A_128 = arith.constant 16 : i32
        %mul3A_129 = arith.muli %scan3A_127, %mul3A_128 : i32
        %get3A = arith.index_cast %mul3A_129 : i32 to index
        %get3A_130 = tpu.vector_load %arg9[%get3A] {strides = array<i32>} : memref<1024xf32, #tpu.memory_space<vmem>>, vector<16xf32>,
        %mul3A_131 = arith.constant 16 : i32
        %mul3A_132 = arith.muli %scan3A_127, %mul3A_131 : i32
        %get3A_133 = arith.index_cast %mul3A_132 : i32 to index
        %get3A_134 = tpu.vector_load %arg10[%get3A_133] {strides = array<i32>} : memref<1024xf32, #tpu.memory_space<vmem>>, vector<16xf32>,
        %mul3A_135 = arith.constant 16 : i32
        %mul3A_136 = arith.muli %scan3A_127, %mul3A_135 : i32
        %get3A_137 = arith.index_cast %mul3A_136 : i32 to index
        %get3A_138 = tpu.vector_load %arg11[%get3A_137] {strides = array<i32>} : memref<1024xf32, #tpu.memory_space<vmem>>, vector<16xf32>,
        %ge3A = arith.constant -2.000000e+01 : f32
        %ge3A_139 = vector.broadcast %ge3A : f32 to vector<16xf32>
        %ge3A_140 = arith.cmpf oge, %get3A_130, %ge3A_139 : vector<16xf32>
        %lt3A = arith.constant 2.000000e+01 : f32
        %lt3A_141 = vector.broadcast %lt3A : f32 to vector<16xf32>
        %lt3A_142 = arith.cmpf olt, %get3A_130, %lt3A_141 : vector<16xf32>
        %and3A = arith.andi %ge3A_140, %lt3A_142 : vector<16xi1>
        %ge3A_143 = arith.constant -1.000000e+01 : f32
        %ge3A_144 = vector.broadcast %ge3A_143 : f32 to vector<16xf32>
        %ge3A_145 = arith.cmpf oge, %get3A_134, %ge3A_144 : vector<16xf32>
        %and3A_146 = arith.andi %and3A, %ge3A_145 : vector<16xi1>
        %lt3A_147 = arith.constant 3.000000e+01 : f32
        %lt3A_148 = vector.broadcast %lt3A_147 : f32 to vector<16xf32>
        %lt3A_149 = arith.cmpf olt, %get3A_134, %lt3A_148 : vector<16xf32>
        %and3A_150 = arith.andi %and3A_146, %lt3A_149 : vector<16xi1>
        %sub3A_151 = arith.constant -2.000000e+01 : f32
        %sub3A_152 = vector.broadcast %sub3A_151 : f32 to vector<16xf32>
        %sub3A_153 = arith.subf %get3A_130, %sub3A_152 : vector<16xf32>
        %div3A = arith.constant 1.000000e-01 : f32
        %div3A_154 = vector.broadcast %div3A : f32 to vector<16xf32>
        %div3A_155 = arith.divf %sub3A_153, %div3A_154 : vector<16xf32>
        %convert_element_type3A = arith.fptosi %div3A_155 : vector<16xf32> to vector<16xi32>
        %jit3A = arith.constant 0 : i32
        %jit3A_156 = arith.constant 399 : i32
        %max3A_157 = vector.broadcast %jit3A : i32 to vector<16xi32>
        %max3A_158 = arith.maxsi %max3A_157, %convert_element_type3A : vector<16xi32>
        %min3A_159 = vector.broadcast %jit3A_156 : i32 to vector<16xi32>
        %min3A_160 = arith.minsi %min3A_159, %max3A_158 : vector<16xi32>
        %sub3A_161 = arith.constant -1.000000e+01 : f32
        %sub3A_162 = vector.broadcast %sub3A_161 : f32 to vector<16xf32>
        %sub3A_163 = arith.subf %get3A_134, %sub3A_162 : vector<16xf32>
        %div3A_164 = arith.constant 1.000000e-01 : f32
        %div3A_165 = vector.broadcast %div3A_164 : f32 to vector<16xf32>
        %div3A_166 = arith.divf %sub3A_163, %div3A_165 : vector<16xf32>
        %convert_element_type3A_167 = arith.fptosi %div3A_166 : vector<16xf32> to vector<16xi32>
        %jit3A_168 = arith.constant 0 : i32
        %jit3A_169 = arith.constant 299 : i32
        %max3A_170 = vector.broadcast %jit3A_168 : i32 to vector<16xi32>
        %max3A_171 = arith.maxsi %max3A_170, %convert_element_type3A_167 : vector<16xi32>
        %min3A_172 = vector.broadcast %jit3A_169 : i32 to vector<16xi32>
        %min3A_173 = arith.minsi %min3A_172, %max3A_171 : vector<16xi32>
        %mul3A_174 = arith.constant 400 : i32
        %mul3A_175 = vector.broadcast %mul3A_174 : i32 to vector<16xi32>
        %mul3A_176 = arith.muli %min3A_173, %mul3A_175 : vector<16xi32>
        %add3A_177 = arith.addi %mul3A_176, %min3A_160 : vector<16xi32>
        %jit3A_178 = arith.constant 120000 : i32
        %broadcast_in_dim3A_179 = vector.broadcast %jit3A_178 : i32 to vector<16xi32>
        %select_n3A = arith.select %and3A_150, %add3A_177, %broadcast_in_dim3A_179 : vector<16xi1>, vector<16xi32>
        %masked_sort3A = arith.constant dense<true> : vector<16xi1>
        %masked_sort3A_180 = arith.constant -2147483648 : i32
        %masked_sort3A_181 = vector.broadcast %masked_sort3A_180 : i32 to vector<16xi32>
        %masked_sort3A_182 = arith.xori %select_n3A, %masked_sort3A_181 : vector<16xi32>
        %masked_sort3A_183, %masked_sort3A_184, %masked_sort3A_185 = tpu.sort %masked_sort3A_182, %get3A_138 masked %masked_sort3A : (vector<16xi32>, vector<16xf32>, vector<16xi1>) -> (vector<16xi1>, vector<16xi32>, vector<16xf32>)
        %masked_sort3A_186 = arith.xori %masked_sort3A_184, %masked_sort3A_181 : vector<16xi32>
        %lt3A_187 = arith.constant 0 : i32
        %lt3A_188 = vector.broadcast %lt3A_187 : i32 to vector<16xi32>
        %lt3A_189 = arith.cmpi slt, %max3A_12, %lt3A_188 : vector<16xi32>
        %add3A_190 = arith.constant 16 : i32
        %add3A_191 = vector.broadcast %add3A_190 : i32 to vector<16xi32>
        %add3A_192 = arith.addi %max3A_12, %add3A_191 : vector<16xi32>
        %select_n3A_193 = arith.select %lt3A_189, %add3A_192, %max3A_12 : vector<16xi1>, vector<16xi32>
        %reshape3A = vector.shape_cast %select_n3A_193 : vector<16xi32> to vector<16x1xi32>
        %gather3A = vector.shape_cast %reshape3A : vector<16x1xi32> to vector<16xi32>
        %gather3A_194 = tpu.dynamic_gather %masked_sort3A_186[%gather3A] in [0] : vector<16xi32>, vector<16xi32> -> vector<16xi32>
        %lt3A_195 = arith.constant 0 : i32
        %lt3A_196 = vector.broadcast %lt3A_195 : i32 to vector<16xi32>
        %lt3A_197 = arith.cmpi slt, %max3A_12, %lt3A_196 : vector<16xi32>
        %add3A_198 = arith.constant 16 : i32
        %add3A_199 = vector.broadcast %add3A_198 : i32 to vector<16xi32>
        %add3A_200 = arith.addi %max3A_12, %add3A_199 : vector<16xi32>
        %select_n3A_201 = arith.select %lt3A_197, %add3A_200, %max3A_12 : vector<16xi1>, vector<16xi32>
        %reshape3A_202 = vector.shape_cast %select_n3A_201 : vector<16xi32> to vector<16x1xi32>
        %gather3A_203 = vector.shape_cast %reshape3A_202 : vector<16x1xi32> to vector<16xi32>
        %gather3A_204 = tpu.dynamic_gather %masked_sort3A_185[%gather3A_203] in [0] : vector<16xf32>, vector<16xi32> -> vector<16xf32>
        %eq3A_205 = arith.cmpi eq, %gather3A_194, %masked_sort3A_186 : vector<16xi32>
        %max3A_206 = arith.maximumf %masked_sort3A_185, %gather3A_204 : vector<16xf32>
        %select_n3A_207 = arith.select %eq3A_205, %max3A_206, %masked_sort3A_185 : vector<16xi1>, vector<16xf32>
        %lt3A_208 = arith.constant 0 : i32
        %lt3A_209 = vector.broadcast %lt3A_208 : i32 to vector<16xi32>
        %lt3A_210 = arith.cmpi slt, %max3A_18, %lt3A_209 : vector<16xi32>
        %add3A_211 = arith.constant 16 : i32
        %add3A_212 = vector.broadcast %add3A_211 : i32 to vector<16xi32>
        %add3A_213 = arith.addi %max3A_18, %add3A_212 : vector<16xi32>
        %select_n3A_214 = arith.select %lt3A_210, %add3A_213, %max3A_18 : vector<16xi1>, vector<16xi32>
        %reshape3A_215 = vector.shape_cast %select_n3A_214 : vector<16xi32> to vector<16x1xi32>
        %gather3A_216 = vector.shape_cast %reshape3A_215 : vector<16x1xi32> to vector<16xi32>
        %gather3A_217 = tpu.dynamic_gather %masked_sort3A_186[%gather3A_216] in [0] : vector<16xi32>, vector<16xi32> -> vector<16xi32>
        %lt3A_218 = arith.constant 0 : i32
        %lt3A_219 = vector.broadcast %lt3A_218 : i32 to vector<16xi32>
        %lt3A_220 = arith.cmpi slt, %max3A_18, %lt3A_219 : vector<16xi32>
        %add3A_221 = arith.constant 16 : i32
        %add3A_222 = vector.broadcast %add3A_221 : i32 to vector<16xi32>
        %add3A_223 = arith.addi %max3A_18, %add3A_222 : vector<16xi32>
        %select_n3A_224 = arith.select %lt3A_220, %add3A_223, %max3A_18 : vector<16xi1>, vector<16xi32>
        %reshape3A_225 = vector.shape_cast %select_n3A_224 : vector<16xi32> to vector<16x1xi32>
        %gather3A_226 = vector.shape_cast %reshape3A_225 : vector<16x1xi32> to vector<16xi32>
        %gather3A_227 = tpu.dynamic_gather %select_n3A_207[%gather3A_226] in [0] : vector<16xf32>, vector<16xi32> -> vector<16xf32>
        %eq3A_228 = arith.cmpi eq, %gather3A_217, %masked_sort3A_186 : vector<16xi32>
        %max3A_229 = arith.maximumf %select_n3A_207, %gather3A_227 : vector<16xf32>
        %select_n3A_230 = arith.select %eq3A_228, %max3A_229, %select_n3A_207 : vector<16xi1>, vector<16xf32>
        %lt3A_231 = arith.constant 0 : i32
        %lt3A_232 = vector.broadcast %lt3A_231 : i32 to vector<16xi32>
        %lt3A_233 = arith.cmpi slt, %max3A_24, %lt3A_232 : vector<16xi32>
        %add3A_234 = arith.constant 16 : i32
        %add3A_235 = vector.broadcast %add3A_234 : i32 to vector<16xi32>
        %add3A_236 = arith.addi %max3A_24, %add3A_235 : vector<16xi32>
        %select_n3A_237 = arith.select %lt3A_233, %add3A_236, %max3A_24 : vector<16xi1>, vector<16xi32>
        %reshape3A_238 = vector.shape_cast %select_n3A_237 : vector<16xi32> to vector<16x1xi32>
        %gather3A_239 = vector.shape_cast %reshape3A_238 : vector<16x1xi32> to vector<16xi32>
        %gather3A_240 = tpu.dynamic_gather %masked_sort3A_186[%gather3A_239] in [0] : vector<16xi32>, vector<16xi32> -> vector<16xi32>
        %lt3A_241 = arith.constant 0 : i32
        %lt3A_242 = vector.broadcast %lt3A_241 : i32 to vector<16xi32>
        %lt3A_243 = arith.cmpi slt, %max3A_24, %lt3A_242 : vector<16xi32>
        %add3A_244 = arith.constant 16 : i32
        %add3A_245 = vector.broadcast %add3A_244 : i32 to vector<16xi32>
        %add3A_246 = arith.addi %max3A_24, %add3A_245 : vector<16xi32>
        %select_n3A_247 = arith.select %lt3A_243, %add3A_246, %max3A_24 : vector<16xi1>, vector<16xi32>
        %reshape3A_248 = vector.shape_cast %select_n3A_247 : vector<16xi32> to vector<16x1xi32>
        %gather3A_249 = vector.shape_cast %reshape3A_248 : vector<16x1xi32> to vector<16xi32>
        %gather3A_250 = tpu.dynamic_gather %select_n3A_230[%gather3A_249] in [0] : vector<16xf32>, vector<16xi32> -> vector<16xf32>
        %eq3A_251 = arith.cmpi eq, %gather3A_240, %masked_sort3A_186 : vector<16xi32>
        %max3A_252 = arith.maximumf %select_n3A_230, %gather3A_250 : vector<16xf32>
        %select_n3A_253 = arith.select %eq3A_251, %max3A_252, %select_n3A_230 : vector<16xi1>, vector<16xf32>
        %lt3A_254 = arith.constant 0 : i32
        %lt3A_255 = vector.broadcast %lt3A_254 : i32 to vector<16xi32>
        %lt3A_256 = arith.cmpi slt, %max3A_30, %lt3A_255 : vector<16xi32>
        %add3A_257 = arith.constant 16 : i32
        %add3A_258 = vector.broadcast %add3A_257 : i32 to vector<16xi32>
        %add3A_259 = arith.addi %max3A_30, %add3A_258 : vector<16xi32>
        %select_n3A_260 = arith.select %lt3A_256, %add3A_259, %max3A_30 : vector<16xi1>, vector<16xi32>
        %reshape3A_261 = vector.shape_cast %select_n3A_260 : vector<16xi32> to vector<16x1xi32>
        %gather3A_262 = vector.shape_cast %reshape3A_261 : vector<16x1xi32> to vector<16xi32>
        %gather3A_263 = tpu.dynamic_gather %masked_sort3A_186[%gather3A_262] in [0] : vector<16xi32>, vector<16xi32> -> vector<16xi32>
        %lt3A_264 = arith.constant 0 : i32
        %lt3A_265 = vector.broadcast %lt3A_264 : i32 to vector<16xi32>
        %lt3A_266 = arith.cmpi slt, %max3A_30, %lt3A_265 : vector<16xi32>
        %add3A_267 = arith.constant 16 : i32
        %add3A_268 = vector.broadcast %add3A_267 : i32 to vector<16xi32>
        %add3A_269 = arith.addi %max3A_30, %add3A_268 : vector<16xi32>
        %select_n3A_270 = arith.select %lt3A_266, %add3A_269, %max3A_30 : vector<16xi1>, vector<16xi32>
        %reshape3A_271 = vector.shape_cast %select_n3A_270 : vector<16xi32> to vector<16x1xi32>
        %gather3A_272 = vector.shape_cast %reshape3A_271 : vector<16x1xi32> to vector<16xi32>
        %gather3A_273 = tpu.dynamic_gather %select_n3A_253[%gather3A_272] in [0] : vector<16xf32>, vector<16xi32> -> vector<16xf32>
        %eq3A_274 = arith.cmpi eq, %gather3A_263, %masked_sort3A_186 : vector<16xi32>
        %max3A_275 = arith.maximumf %select_n3A_253, %gather3A_273 : vector<16xf32>
        %select_n3A_276 = arith.select %eq3A_274, %max3A_275, %select_n3A_253 : vector<16xi1>, vector<16xf32>
        %lt3A_277 = arith.constant 0 : i32
        %lt3A_278 = vector.broadcast %lt3A_277 : i32 to vector<16xi32>
        %lt3A_279 = arith.cmpi slt, %min3A_35, %lt3A_278 : vector<16xi32>
        %add3A_280 = arith.constant 16 : i32
        %add3A_281 = vector.broadcast %add3A_280 : i32 to vector<16xi32>
        %add3A_282 = arith.addi %min3A_35, %add3A_281 : vector<16xi32>
        %select_n3A_283 = arith.select %lt3A_279, %add3A_282, %min3A_35 : vector<16xi1>, vector<16xi32>
        %reshape3A_284 = vector.shape_cast %select_n3A_283 : vector<16xi32> to vector<16x1xi32>
        %gather3A_285 = vector.shape_cast %reshape3A_284 : vector<16x1xi32> to vector<16xi32>
        %gather3A_286 = tpu.dynamic_gather %masked_sort3A_186[%gather3A_285] in [0] : vector<16xi32>, vector<16xi32> -> vector<16xi32>
        %ne3A = arith.cmpi ne, %gather3A_286, %masked_sort3A_186 : vector<16xi32>
        %or3A = arith.ori %ne3A, %eq3A_37 : vector<16xi1>
        %gather3A_287 = tpu.vector_load_idx %arg12[%masked_sort3A_186] : memref<120064xf32, #tpu.memory_space<vmem>>[vector<16xi32>], vector<16xf32>,
        %max3A_288 = arith.maximumf %gather3A_287, %select_n3A_276 : vector<16xf32>
        tpu.vector_store_idx %arg12[%masked_sort3A_186], %max3A_288 masked %or3A : memref<120064xf32, #tpu.memory_space<vmem>>[vector<16xi32>], vector<16xf32>, vector<16xi1>
      }
      %scan3A_126 = arith.constant 64 : i32
    }
    %scan3A_50 = arith.constant 16 : i32
    %dma_wait3A = arith.constant 0 : i32
    %dma_wait3A_51 = tpu.memref_slice %arg2[%dma_wait3A] : memref<1048576xf32, #tpu.memory_space<hbm>> -> memref<1024xf32, #tpu.memory_space<hbm>>
    %dma_wait3A_52 = arith.constant 0 : i32
    %dma_wait3A_53 = tpu.memref_slice %arg2[%dma_wait3A_52] : memref<1048576xf32, #tpu.memory_space<hbm>> -> memref<1024xf32, #tpu.memory_space<hbm>>
    tpu.wait_dma2 semaphore(%arg13 : memref<!tpu.dma_semaphore, #tpu.memory_space<semaphore_mem>>) src(%dma_wait3A_53 : memref<1024xf32, #tpu.memory_space<hbm>>) dst(%arg6 : memref<1024xf32, #tpu.memory_space<vmem>>)
    %dma_wait3A_54 = arith.constant 0 : i32
    %dma_wait3A_55 = tpu.memref_slice %arg3[%dma_wait3A_54] : memref<1048576xf32, #tpu.memory_space<hbm>> -> memref<1024xf32, #tpu.memory_space<hbm>>
    %dma_wait3A_56 = arith.constant 0 : i32
    %dma_wait3A_57 = tpu.memref_slice %arg3[%dma_wait3A_56] : memref<1048576xf32, #tpu.memory_space<hbm>> -> memref<1024xf32, #tpu.memory_space<hbm>>
    tpu.wait_dma2 semaphore(%arg13 : memref<!tpu.dma_semaphore, #tpu.memory_space<semaphore_mem>>) src(%dma_wait3A_57 : memref<1024xf32, #tpu.memory_space<hbm>>) dst(%arg7 : memref<1024xf32, #tpu.memory_space<vmem>>)
    %dma_wait3A_58 = arith.constant 0 : i32
    %dma_wait3A_59 = tpu.memref_slice %arg4[%dma_wait3A_58] : memref<1048576xf32, #tpu.memory_space<hbm>> -> memref<1024xf32, #tpu.memory_space<hbm>>
    %dma_wait3A_60 = arith.constant 0 : i32
    %dma_wait3A_61 = tpu.memref_slice %arg4[%dma_wait3A_60] : memref<1048576xf32, #tpu.memory_space<hbm>> -> memref<1024xf32, #tpu.memory_space<hbm>>
    tpu.wait_dma2 semaphore(%arg13 : memref<!tpu.dma_semaphore, #tpu.memory_space<semaphore_mem>>) src(%dma_wait3A_61 : memref<1024xf32, #tpu.memory_space<hbm>>) dst(%arg8 : memref<1024xf32, #tpu.memory_space<vmem>>)
    %mul3A_62 = arith.constant 120064 : i32
    %mul3A_63 = arith.muli %add3A, %mul3A_62 : i32
    "tpu.region"() ({
      %run_scoped3A = tpu.sem_alloc : memref<!tpu.dma_semaphore, #tpu.memory_space<semaphore_mem>>
      %dma_start3A_64 = tpu.memref_slice %arg5[%mul3A_63] : memref<3842048xf32, #tpu.memory_space<hbm>> -> memref<120064xf32, #tpu.memory_space<hbm>>
      %dma_start3A_65 = tpu.memref_slice %arg5[%mul3A_63] : memref<3842048xf32, #tpu.memory_space<hbm>> -> memref<120064xf32, #tpu.memory_space<hbm>>
      tpu.enqueue_dma source(%arg12 : memref<120064xf32, #tpu.memory_space<vmem>>) target(%dma_start3A_65 : memref<120064xf32, #tpu.memory_space<hbm>>) target_semaphore(%run_scoped3A : memref<!tpu.dma_semaphore, #tpu.memory_space<semaphore_mem>>)
      %dma_wait3A_66 = tpu.memref_slice %arg5[%mul3A_63] : memref<3842048xf32, #tpu.memory_space<hbm>> -> memref<120064xf32, #tpu.memory_space<hbm>>
      %dma_wait3A_67 = tpu.memref_slice %arg5[%mul3A_63] : memref<3842048xf32, #tpu.memory_space<hbm>> -> memref<120064xf32, #tpu.memory_space<hbm>>
      tpu.wait_dma2 semaphore(%run_scoped3A : memref<!tpu.dma_semaphore, #tpu.memory_space<semaphore_mem>>) src(%arg12 : memref<120064xf32, #tpu.memory_space<vmem>>) dst(%dma_wait3A_67 : memref<120064xf32, #tpu.memory_space<hbm>>)
      tpu.yield
    }) : () -> ()
    return
  }
}

module attributes {stable_mosaic.version = 14 : i64} {
  func.func @_finalize_body(%arg0: memref<32x120064xf32, #tpu.memory_space<vmem>>, %arg1: memref<4x120832xf32, #tpu.memory_space<vmem>>, %arg2: memref<3x120000xf32, #tpu.memory_space<vmem>>) attributes {dimension_semantics = [], scalar_prefetch = 0 : i64, scratch_operands = 0 : i64, tpu.core_type = #tpu.core_type<tc>} {
    %get3A = arith.constant 0 : index
    %get3A_0 = arith.constant 0 : index
    %get3A_1 = vector.load %arg0[%get3A, %get3A_0] : memref<32x120064xf32, #tpu.memory_space<vmem>>, vector<32x120000xf32>
    %reduce_max3A = arith.constant dense<0xFF800000> : vector<120000xf32>
    %reduce_max3A_2 = vector.multi_reduction <maximumf>, %get3A_1, %reduce_max3A [0] : vector<32x120000xf32> to vector<120000xf32>
    %get3A_3 = arith.constant 0 : index
    %get3A_4 = arith.constant 0 : index
    %get3A_5 = vector.load %arg1[%get3A_3, %get3A_4] : memref<4x120832xf32, #tpu.memory_space<vmem>>, vector<4x120832xf32>
    %slice3A = vector.extract_strided_slice %get3A_5 {offsets = [0, 0], sizes = [1, 120000], strides = [1, 1]} : vector<4x120832xf32> to vector<1x120000xf32>
    %squeeze3A = vector.shape_cast %slice3A : vector<1x120000xf32> to vector<120000xf32>
    %slice3A_6 = vector.extract_strided_slice %get3A_5 {offsets = [2, 0], sizes = [1, 120000], strides = [1, 1]} : vector<4x120832xf32> to vector<1x120000xf32>
    %squeeze3A_7 = vector.shape_cast %slice3A_6 : vector<1x120000xf32> to vector<120000xf32>
    %add3A = arith.addf %squeeze3A, %squeeze3A_7 : vector<120000xf32>
    %slice3A_8 = vector.extract_strided_slice %get3A_5 {offsets = [1, 0], sizes = [1, 120000], strides = [1, 1]} : vector<4x120832xf32> to vector<1x120000xf32>
    %squeeze3A_9 = vector.shape_cast %slice3A_8 : vector<1x120000xf32> to vector<120000xf32>
    %slice3A_10 = vector.extract_strided_slice %get3A_5 {offsets = [3, 0], sizes = [1, 120000], strides = [1, 1]} : vector<4x120832xf32> to vector<1x120000xf32>
    %squeeze3A_11 = vector.shape_cast %slice3A_10 : vector<1x120000xf32> to vector<120000xf32>
    %add3A_12 = arith.addf %squeeze3A_9, %squeeze3A_11 : vector<120000xf32>
    %eq3A = arith.constant 0xFF800000 : f32
    %eq3A_13 = vector.broadcast %eq3A : f32 to vector<120000xf32>
    %eq3A_14 = arith.cmpf oeq, %reduce_max3A_2, %eq3A_13 : vector<120000xf32>
    %jit3A = arith.constant 0.000000e+00 : f32
    %broadcast_in_dim3A = vector.broadcast %jit3A : f32 to vector<120000xf32>
    %select_n3A = arith.select %eq3A_14, %broadcast_in_dim3A, %reduce_max3A_2 : vector<120000xi1>, vector<120000xf32>
    %gt3A = arith.constant 0.000000e+00 : f32
    %gt3A_15 = vector.broadcast %gt3A : f32 to vector<120000xf32>
    %gt3A_16 = arith.cmpf ogt, %add3A_12, %gt3A_15 : vector<120000xf32>
    %jit3A_17 = arith.constant 1.000000e+00 : f32
    %broadcast_in_dim3A_18 = vector.broadcast %jit3A_17 : f32 to vector<120000xf32>
    %select_n3A_19 = arith.select %gt3A_16, %add3A_12, %broadcast_in_dim3A_18 : vector<120000xi1>, vector<120000xf32>
    %gt3A_20 = arith.constant 0.000000e+00 : f32
    %gt3A_21 = vector.broadcast %gt3A_20 : f32 to vector<120000xf32>
    %gt3A_22 = arith.cmpf ogt, %add3A_12, %gt3A_21 : vector<120000xf32>
    %div3A = arith.divf %add3A, %select_n3A_19 : vector<120000xf32>
    %jit3A_23 = arith.constant 0.000000e+00 : f32
    %broadcast_in_dim3A_24 = vector.broadcast %jit3A_23 : f32 to vector<120000xf32>
    %select_n3A_25 = arith.select %gt3A_22, %div3A, %broadcast_in_dim3A_24 : vector<120000xi1>, vector<120000xf32>
    %sub3A = arith.constant -3.000000e+00 : f32
    %sub3A_26 = vector.broadcast %sub3A : f32 to vector<120000xf32>
    %sub3A_27 = arith.subf %select_n3A, %sub3A_26 : vector<120000xf32>
    %div3A_28 = arith.constant 7.000000e+00 : f32
    %div3A_29 = vector.broadcast %div3A_28 : f32 to vector<120000xf32>
    %div3A_30 = arith.divf %sub3A_27, %div3A_29 : vector<120000xf32>
    %jit3A_31 = arith.constant 0.000000e+00 : f32
    %jit3A_32 = arith.constant 1.000000e+00 : f32
    %max3A = vector.broadcast %jit3A_31 : f32 to vector<120000xf32>
    %max3A_33 = arith.maximumf %max3A, %div3A_30 : vector<120000xf32>
    %min3A = vector.broadcast %jit3A_32 : f32 to vector<120000xf32>
    %min3A_34 = arith.minimumf %min3A, %max3A_33 : vector<120000xf32>
    %swap3A = arith.constant 0 : index
    %swap3A_35 = arith.constant 0 : index
    %swap3A_36 = vector.load %arg2[%swap3A, %swap3A_35] : memref<3x120000xf32, #tpu.memory_space<vmem>>, vector<1x120000xf32>
    %swap3A_37 = vector.shape_cast %swap3A_36 : vector<1x120000xf32> to vector<120000xf32>
    %swap3A_38 = vector.shape_cast %min3A_34 : vector<120000xf32> to vector<1x120000xf32>
    tpu.vector_store %arg2[%swap3A, %swap3A_35], %swap3A_38 {strides = array<i32>} : memref<3x120000xf32, #tpu.memory_space<vmem>>, vector<1x120000xf32>,
    %div3A_39 = arith.constant 2.550000e+02 : f32
    %div3A_40 = vector.broadcast %div3A_39 : f32 to vector<120000xf32>
    %div3A_41 = arith.divf %select_n3A_25, %div3A_40 : vector<120000xf32>
    %jit3A_42 = arith.constant 0.000000e+00 : f32
    %jit3A_43 = arith.constant 1.000000e+00 : f32
    %max3A_44 = vector.broadcast %jit3A_42 : f32 to vector<120000xf32>
    %max3A_45 = arith.maximumf %max3A_44, %div3A_41 : vector<120000xf32>
    %min3A_46 = vector.broadcast %jit3A_43 : f32 to vector<120000xf32>
    %min3A_47 = arith.minimumf %min3A_46, %max3A_45 : vector<120000xf32>
    %swap3A_48 = arith.constant 1 : index
    %swap3A_49 = arith.constant 0 : index
    %swap3A_50 = vector.load %arg2[%swap3A_48, %swap3A_49] : memref<3x120000xf32, #tpu.memory_space<vmem>>, vector<1x120000xf32>
    %swap3A_51 = vector.shape_cast %swap3A_50 : vector<1x120000xf32> to vector<120000xf32>
    %swap3A_52 = vector.shape_cast %min3A_47 : vector<120000xf32> to vector<1x120000xf32>
    tpu.vector_store %arg2[%swap3A_48, %swap3A_49], %swap3A_52 {strides = array<i32>} : memref<3x120000xf32, #tpu.memory_space<vmem>>, vector<1x120000xf32>,
    %add3A_53 = arith.constant 1.000000e+00 : f32
    %add3A_54 = vector.broadcast %add3A_53 : f32 to vector<120000xf32>
    %add3A_55 = arith.addf %add3A_54, %add3A_12 : vector<120000xf32>
    %log3A = math.log %add3A_55 : vector<120000xf32>
    %log3A_56 = arith.constant 1.290000e+02 : f32
    %log3A_57 = math.log %log3A_56 : f32
    %div3A_58 = vector.broadcast %log3A_57 : f32 to vector<120000xf32>
    %div3A_59 = arith.divf %log3A, %div3A_58 : vector<120000xf32>
    %jit3A_60 = arith.constant 0.000000e+00 : f32
    %jit3A_61 = arith.constant 1.000000e+00 : f32
    %max3A_62 = vector.broadcast %jit3A_60 : f32 to vector<120000xf32>
    %max3A_63 = arith.maximumf %max3A_62, %div3A_59 : vector<120000xf32>
    %min3A_64 = vector.broadcast %jit3A_61 : f32 to vector<120000xf32>
    %min3A_65 = arith.minimumf %min3A_64, %max3A_63 : vector<120000xf32>
    %swap3A_66 = arith.constant 2 : index
    %swap3A_67 = arith.constant 0 : index
    %swap3A_68 = vector.load %arg2[%swap3A_66, %swap3A_67] : memref<3x120000xf32, #tpu.memory_space<vmem>>, vector<1x120000xf32>
    %swap3A_69 = vector.shape_cast %swap3A_68 : vector<1x120000xf32> to vector<120000xf32>
    %swap3A_70 = vector.shape_cast %min3A_65 : vector<120000xf32> to vector<1x120000xf32>
    tpu.vector_store %arg2[%swap3A_66, %swap3A_67], %swap3A_70 {strides = array<i32>} : memref<3x120000xf32, #tpu.memory_space<vmem>>, vector<1x120000xf32>,
    return
  }
}

</mosaic_0001>

<sc_bundles>
// kernel: kernel.5.cloned.1.call-start
scs
__scs_entry_jumppad:
0x0: {  	(pc) =	sbr.rel $0x88, $3  }
0x1: {  	(tag) =	ssettag $0x0;
	lr =	simm.s32 $0x1  }
0x2: {  	[smem:$0x3FA0] =	sst lr;
	_ =	strace $0xD0000000  }
0x3: {  	_ = 	snop  }
0x4: {  	_ = 	snop  }
0x5: {  	_ = 	snop  }
0x6: {  	_ = 	snop  }
0x7: {  	_ = 	snop  }
__scs_overlays_trampoline_lowered:
0x8: {  	[smem:$0x3FAF] =	sst s0  }
0x9: {  	[smem:$0x3FB0] =	sst s1  }
0xa: {  	[smem:$0x3FB1] =	sst s2  }
0xb: {  	[smem:$0x3FB2] =	sst s3  }
0xc: {  	[smem:$0x3FB3] =	sst s4  }
0xd: {  	[smem:$0x3FB4] =	sst s5  }
0xe: {  	[smem:$0x3FB5] =	sst s6  }
0xf: {  	[smem:$0x3FB6] =	sst s7  }
0x10: {  	[smem:$0x3FB7] =	sst s8  }
0x11: {  	[smem:$0x3FB8] =	sst s9;
	s0 =	simm.s32 @!p0 $0x0  }
0x12: {  	s1 =	sld [smem:$0x3F9E];
	s0 =	simm.s32 @p0 $0x1  }
0x13: {  	[smem:$0x3FB9] =	sst s0;
	s0 =	simm.s32 @!p1 $0x0  }
0x14: {  	s2 =	sld [smem:$0x3F9D];
	s0 =	simm.s32 @p1 $0x1  }
0x15: {  	[smem:$0x3FBA] =	sst s0;
	s0 =	simm.s32 @!p2 $0x0  }
0x16: {  	s3 =	sld [smem:$0x3FDB];
	s0 =	simm.s32 @p2 $0x1  }
0x17: {  	s4 =	simm.s32 $0x1BF5;
	[smem:$0x3FBC] =	sst s0  }
0x18: {  	s0 =	sld [smem:$0x3F9F];
	_ =	swait.ge [sflag:s4], $0x0  }
0x19: {  	s7 =	sld [smem:$0x3FA0]  }
0x1a: {  	s8 =	sadd.s32 $0xFFFFE003, lr  }
0x1b: {  	s9 =	sadd.s32 $0xFFFFFEF7, lr;
	s5 =	simm.s32 $0xFFFFFFFF;
	p2 =	slt.u32 s8, $0xFFFFF086  }
0x1c: {  	p1 =	slt.u32 s9, $0xF7A;
	s5 =	simm.s32 @!p2 $0x0  }
0x1d: {  	s5 =	simm.s32 @p1 $0x1;
	p0 =	seq.s32 s7, s2  }
0x1e: {  	s7 =	smul.u32 @!p0 $0xF7A, s2;
	p2 =	seq.s32 @!p0 s5, $0x0  }
0x1f: {  	s9 =	smul.u32 $0xF7A, s1;
	s8 =	simm.s32 @!p0 $0x1BF5;
	p2 =	por !p2, p0  }
0x20: {  	[sflag:s8] =	ssyncset.s32 @!p0 $0xFFFFF086;
	s6 =	sadd.s32 @!p0 s3, s7;
	s7 =	simm.s32 @!p0 $0x108  }
0x21: {  	s3 =	sadd.s32 s3, s9;
	s6 =	sadd.s32 @!p0 $0x88, s6;
	s7 =	simm.s32 @p2 $0x1082  }
0x22: {  	[simem:s7], [sflag:s8] =	dma.local @!p0 [hbm:s6], $0xF7A  }
0x23: {  	s9 =	sor.u32 $0xD0000000, s2;
	s6 =	simm.s32 $0x108;
	_ =	swait.ge @!p0 [sflag:s8], $0x0  }
0x24: {  	s3 =	sadd.s32 $0x88, s3;
	s6 =	simm.s32 @!p1 $0x1082;
	[sflag:s4] =	ssyncset.s32 $0xFFFFF086  }
0x25: {  	[simem:s6], [sflag:s4] =	dma.local [hbm:s3], $0xF7A  }
0x26: {  	[smem:$0x3FA0] =	sst s1;
	(tag) =	ssettag s2;
	_ =	strace s9  }
0x27: {  	s1 =	sld [smem:$0x3FB0]  }
0x28: {  	s2 =	sld [smem:$0x3FB1]  }
0x29: {  	s4 =	sld [smem:$0x3FB3]  }
0x2a: {  	p0 =	seq.s32 s5, $0x0;
	s5 =	sld [smem:$0x3FB4]  }
0x2b: {  	s6 =	sld [smem:$0x3FB5]  }
0x2c: {  	s7 =	sld [smem:$0x3FB6]  }
0x2d: {  	s3 =	simm.s32 $0x108;
	s8 =	sld [smem:$0x3FB7]  }
0x2e: {  	s3 =	simm.s32 @!p0 $0x1082;
	s9 =	sld [smem:$0x3FB8]  }
0x2f: {  	lr =	sadd.s32 s0, s3;
	s0 =	sld [smem:$0x3FAF]  }
0x30: {  	s3 =	sld [smem:$0x3FB2]  }
0x31: {  	[smem:$0x3FBB] =	sst s10  }
0x32: {  	s10 =	sld [smem:$0x3FB9];
	_ =	sdelay $0x3  }
0x33: {  	p0 =	seq.s32 s10, $0x1;
	s10 =	sld [smem:$0x3FBB];
	_ =	sdelay $0x3  }
0x34: {  	[smem:$0x3FBB] =	sst s10  }
0x35: {  	s10 =	sld [smem:$0x3FBA];
	_ =	sdelay $0x3  }
0x36: {  	p1 =	seq.s32 s10, $0x1;
	s10 =	sld [smem:$0x3FBB];
	_ =	sdelay $0x3  }
0x37: {  	[smem:$0x3FBB] =	sst s10  }
0x38: {  	s10 =	sld [smem:$0x3FBC]  }
0x39: {  	_ = 	snop;
	(pc) =	sbr.ind lr, $3  }
0x3a: {  	_ = 	snop  }
0x3b: {  	_ = 	snop  }
0x3c: {  	p2 =	seq.s32 s10, $0x1;
	s10 =	sld [smem:$0x3FBB]  }
0x3d: {  	_ =	shalt  }
0x3e: {  	_ =	shalt  }
0x3f: {  	_ =	shalt  }
0x40: {  	_ =	shalt  }
0x41: {  	_ =	shalt  }
0x42: {  	_ =	shalt  }
0x43: {  	_ =	shalt  }
0x44: {  	_ =	shalt  }
0x45: {  	_ =	shalt  }
0x46: {  	_ =	shalt  }
0x47: {  	_ =	shalt  }
0x48: {  	_ =	shalt  }
0x49: {  	_ =	shalt  }
0x4a: {  	_ =	shalt  }
0x4b: {  	_ =	shalt  }
0x4c: {  	_ =	shalt  }
0x4d: {  	_ =	shalt  }
0x4e: {  	_ =	shalt  }
0x4f: {  	_ =	shalt  }
0x50: {  	_ =	shalt  }
0x51: {  	_ =	shalt  }
0x52: {  	_ =	shalt  }
0x53: {  	_ =	shalt  }
0x54: {  	_ =	shalt  }
0x55: {  	_ =	shalt  }
0x56: {  	_ =	shalt  }
0x57: {  	_ =	shalt  }
0x58: {  	_ =	shalt  }
0x59: {  	_ =	shalt  }
0x5a: {  	_ =	shalt  }
0x5b: {  	_ =	shalt  }
0x5c: {  	_ =	shalt  }
0x5d: {  	_ =	shalt  }
0x5e: {  	_ =	shalt  }
0x5f: {  	_ =	shalt  }
0x60: {  	_ =	shalt  }
0x61: {  	_ =	shalt  }
0x62: {  	_ =	shalt  }
0x63: {  	_ =	shalt  }
0x64: {  	_ =	shalt  }
0x65: {  	_ =	shalt  }
0x66: {  	_ =	shalt  }
0x67: {  	_ =	shalt  }
0x68: {  	_ =	shalt  }
0x69: {  	_ =	shalt  }
0x6a: {  	_ =	shalt  }
0x6b: {  	_ =	shalt  }
0x6c: {  	_ =	shalt  }
0x6d: {  	_ =	shalt  }
0x6e: {  	_ =	shalt  }
0x6f: {  	_ =	shalt  }
0x70: {  	_ =	shalt  }
0x71: {  	_ =	shalt  }
0x72: {  	_ =	shalt  }
0x73: {  	_ =	shalt  }
0x74: {  	_ =	shalt  }
0x75: {  	_ =	shalt  }
0x76: {  	_ =	shalt  }
0x77: {  	_ =	shalt  }
0x78: {  	_ =	shalt  }
0x79: {  	_ =	shalt  }
0x7a: {  	_ =	shalt  }
0x7b: {  	_ =	shalt  }
0x7c: {  	_ =	shalt  }
0x7d: {  	_ =	shalt  }
0x7e: {  	_ =	shalt  }
0x7f: {  	_ =	shalt  }
0x80: {  	_ =	shalt  }
0x81: {  	_ =	shalt  }
0x82: {  	_ =	shalt  }
0x83: {  	_ =	shalt  }
0x84: {  	_ =	shalt  }
0x85: {  	_ =	shalt  }
0x86: {  	_ =	shalt  }
0x87: {  	_ =	shalt  }
.Lfunc_end0:
.L_simem_size_0:
called_computation_lowered:
.L_overlay_start_0:
0x88: {  	s2 =	sld [smem:$0x3FD9]  }
0x89: {  	s3 =	sld [smem:$0x3FFE];
	_ =	sdelay $0x1  }
0x8a: {  	s1 =	srdreg.scid  }
0x8b: {  	s0 =	sand.u32 $0x1, s1  }
0x8c: {  	s16 =	sshll.u32 s0, $0xA;
	s2 =	sadd.s32 s3, s2  }
0x8d: {  	s2 =	sadd.s32 s2, s16  }
0x8e: {  	[smem:$0x3FC7] =	sst s2  }
0x8f: {  	_ = 	snop  }
0x90: {  	(tm) =	ssettm $0x1  }
0x91: {  	s17 =	sld [smem:$0x3FFB];
	_ =	sdelay $0x3  }
0x92: {  	_ =	strace s17  }
0x93: {  	s2 =	sld [smem:$0x3FFC];
	_ =	sdelay $0x3  }
0x94: {  	_ =	strace s2  }
0x95: {  	s2 =	sld [smem:$0x3FFD];
	_ =	sdelay $0x3  }
0x96: {  	_ =	strace s2  }
0x97: {  	_ =	strace $0x8FFFFFFF  }
0x98: {  	s18 =	sld [smem:$0x3FDB];
	_ =	sdelay $0x1  }
0x99: {  	s19 =	simm.s32 $_scs_section_size  }
0x9a: {  	s4 =	simm.s32 $_size__tile_overlayer_lowered;
	s5 =	simm.s32 $_tile_overlayer_lowered  }
0x9b: {  	s22 =	simm.s32 $0x1BFF;
	s21 =	sshll.u32 s5, $0x1;
	s2 =	sadd.s32 s19, s18  }
0x9c: {  	s6 =	simm.s32 $0x0;
	s20 =	sshll.u32 s4, $0x1;
	s4 =	sadd.s32 s21, s2  }
0x9d: {  	[timem:s6], [sflag:s22] =	dma.local [hbm:s4], s20  }
0x9e: {  	_ =	swait.ge [sflag:s22], s20  }
0x9f: {  	s3 =	ssub.s32 $0x0, s20;
	[sflag:s22] =	ssyncset.done $0x0  }
0xa0: {  	[sflag:s22] =	ssyncadd.s32 s3;
	_ =	sdelay $0x1  }
0xa1: {  	s23 =	simm.s32 $0x1B8B  }
0xa2: {  	_ =	swait.ge [sflag:s23], $0x1  }
0xa3: {  	[sflag:s23] =	ssyncset.done $0x0  }
0xa4: {  	s25 =	simm.s32 $0x1B8E;
	s24 =	sld [smem:$0x3FFE];
	[sflag:s23] =	ssyncadd.s32 $0xFFFFFFFF  }
0xa5: {  	s26 =	simm.s32 $execute0_lowered;
	[smem:$0x3FD2] =	sst s25  }
0xa6: {  	s4 =	sshll.u32 s26, $0x1;
	_ =	strace $0x80000046;
	[dreg:$0x1] =	wrdreg $0xFFFFFFFF  }
0xa7: {  	s28 =	simm.s32 $_size_execute0_lowered;
	s2 =	sadd.s32 s2, s4;
	[dreg:$0x0] =	wrdreg $0x0  }
0xa8: {  	s4 =	sshll.u32 s28, $0x1;
	[dreg:$0x2] =	wrdreg s2  }
0xa9: {  	[dreg:$0x3] =	wrdreg s4  }
0xaa: {  	[dreg:$0x4] =	wrdreg $0xC0  }
0xab: {  	_ =	task [dreg:s6], $0x5FFFF  }
0xac: {  	[dreg:$0x1] =	wrdreg $0xFFFFFFFF  }
0xad: {  	[dreg:$0x0] =	wrdreg $0x60  }
0xae: {  	[dreg:$0x2] =	wrdreg s24  }
0xaf: {  	[dreg:$0x3] =	wrdreg $0x11E000  }
0xb0: {  	[dreg:$0x4] =	wrdreg $0x13B800  }
0xb1: {  	[dreg:$0x5] =	wrdreg $0x9  }
0xb2: {  	_ =	task.clear_ibuf [dreg:s6], $0x6FFFF;
	_ =	strace $0x90000046  }
0xb3: {  	s29 =	simm.s32 $0x9;
	_ =	strace $0x80000048  }
0xb4: {  	_ =	swait.ge [sflag:s29], $0x1  }
0xb5: {  	[sflag:s29] =	ssyncadd.s32 $0xFFFFFFFF  }
0xb6: {  	_ =	strace $0x90000048  }
0xb7: {  	_ =	sfence  }
0xb8: {  	s30 =	sld [smem:$0x0];
	_ =	sdelay $0x2  }
0xb9: {  	s31 =	sshll.u32 s1, $0xD;
	s1 =	sshrl.u32 s1, $0x2  }
0xba: {  	s3 =	sand.u32 $0x4000, s31;
	s1 =	sadd.s32 s1, s30  }
0xbb: {  	s0 =	sor.u32 s3, s0;
	s1 =	sshll.u32 s1, $0x11  }
0xbc: {  	s0 =	sor.u32 s1, s0  }
0xbd: {  	s0 =	sadd.s32 $0x8F2B, s0  }
0xbe: {  	[sflag:s0] =	ssyncadd.remote.s32 $0x1  }
0xbf: {  	_ =	sfence.sel $0xFFFF  }
0xc0: {  	[dreg:$0x0] =	wrdreg $0xFFFFFFFF;
	(pc) =	sbr.abs _section_cstart, $3  }
0xc1: {  	[dreg:$0x1] =	wrdreg $0xFFFFFFFF  }
0xc2: {  	_ =	task.clear_ibuf [dreg:s6], $0x2FFFF;
	_ =	strace $0x9FFFFFFF  }
0xc3: {  	(tm) =	ssettm $0x7FFFFFFF  }
tec
execute0_lowered:
.L_overlay_start_1:
0x0: {  	(tag) =	ssettag $0x1  }
0x1: {  	s0 =	rddreg [dreg:$0x0]  }
0x2: {  	s2 =	rddreg [dreg:$0x1]  }
0x3: {  	s3 =	rddreg [dreg:$0x2]  }
0x4: {  	s1 =	srdreg.scid;
	s12 =	stileid.u32  }
0x5: {  	s4 =	simm.s32 $0x0;
	s19 =	simm.s32 $0x5;
	s20 =	simm.s32 $0x2000  }
0x6: {  	s21 =	simm.s32 $0x4000;
	s22 =	simm.s32 $0x1;
	s28 =	simm.s32 $0x80  }
0x7: {  	s29 =	simm.s32 $0x10000;
	s30 =	simm.s32 $0x2;
	s31 =	simm.s32 $0x3  }
0x8: {  	s1 =	sand.u32 $0x1, s1;
	s9 =	smul.u32 $0x1D80, s12;
	[smem:$0x7FF] =	sst s4  }
0x9: {  	v0 =	vimm.f32 $1.000000010e-01;
	s5 =	sadd.s32 $0x60A00, s0;
	s12 =	sshll.u32 s12, $0x10;
	_ =	strace $0x80000047  }
0xa: {  	s7 =	smul.u32 $0x3B000, s1;
	s10 =	ssub.s32 $0x2, s1;
	s1 =	sshll.u32 s1, $0xF;
	(erf) = vrcp.f32 v0  }
0xb: {  	s6 =	sadd.s32 $0x40A00, s0;
	s11 =	sshrl.u32 s10, $0x1;
	s1 =	sor.u32 s1, s12  }
0xc: {  	s8 =	sadd.s32 s9, s7;
	s7 =	sadd.s32 $0xA00, s0;
	s10 =	ssub.s32 s10, s11  }
0xd: {  	s23 =	sshrl.u32 s1, $0x3;
	s13 =	sor.u32 $0x2000, s1;
	s14 =	sor.u32 $0x4000, s1  }
0xe: {  	s8 =	sshrl.u32 s8, $0x3;
	s24 =	sadd.s32 s5, s23;
	s25 =	sadd.s32 s6, s23  }
0xf: {  	s11 =	sadd.s32 s7, s23;
	s17 =	smax.u32 s10, $0x1;
	[dreg:$0x4] =	wrdreg s24  }
0x10: {  	s23 =	simm.s32 $0x4;
	s0 =	sadd.s32 s8, s0;
	[dreg:$0x5] =	wrdreg s25  }
0x11: {  	s8 =	sadd.s32 s9, s2;
	s9 =	sadd.s32 s9, s3;
	[dreg:$0x6] =	wrdreg s11  }
0x12: {  	s24 =	simm.s32 $0x8000;
	s25 =	simm.s32 $0xA000;
	s26 =	sadd.s32 $0x80A00, s0  }
0x13: {  	v1 =	vimm.f32 $0.0e+00;
	v2 =	vimm.f32 $1.000000000e+00;
	s16 =	sadd.s32 $0x84500, s0;
	[dreg:$0x7] =	wrdreg s26;
	s26 =	simm.s32 $0xC000;
	v0 =	vpop (erf)  }
.LBB2_1:
0x14: {  	s0 =	simm.s32 $0x0;
	s1 =	simm.s32 $0x200  }
.LBB2_2:
0x15: {  	p0 =	sne.s32 s1, $0x7400;
	[tilespmem:s0+$0x100F0] =	vst v1  }
0x16: {  	[tilespmem:s0+$0x10080] =	vst v1  }
0x17: {  	[tilespmem:s0+$0x10090] =	vst v1  }
.Ltmp0:
0x18: {  	[tilespmem:s0+$0x100A0] =	vst v1;
	(pc) =	sbr.rel @p0 .LBB2_2-.Ltmp0, $4  }
0x19: {  	[tilespmem:s0+$0x100B0] =	vst v1  }
0x1a: {  	[tilespmem:s0+$0x100C0] =	vst v1  }
0x1b: {  	[tilespmem:s0+$0x100D0] =	vst v1  }
0x1c: {  	[tilespmem:s0+$0x100E0] =	vst v1;
	s0 =	sshra.s32 s1, $0x2;
	s1 =	sadd.s32 $0x200, s1  }
0x1d: {  	[tilespmem:s0+$0x100F0] =	vst v1  }
0x1e: {  	[tilespmem:s0+$0x10080] =	vst v1  }
0x1f: {  	[tilespmem:s0+$0x10090] =	vst v1  }
0x20: {  	[tilespmem:s0+$0x100A0] =	vst v1  }
0x21: {  	[tilespmem:s0+$0x100B0] =	vst v1  }
0x22: {  	[tilespmem:s0+$0x100C0] =	vst v1  }
0x23: {  	[tilespmem:s0+$0x100D0] =	vst v1  }
0x24: {  	[tilespmem:s0+$0x100E0] =	vst v1;
	s12 =	simm.s32 $0x10080  }
0x25: {  	[spmem:s8] =	stream.linear.scatter [tilespmem:s12], [sflag:$0x5], $0x1D80, $0x38;
	[tilespmem:$0x15900] =	vst v63  }
0x26: {  	_ =	swait.ge [sflag:s19], $0x1D80  }
0x27: {  	[sflag:s19] =	ssyncset.done $0x0  }
0x28: {  	[sflag:s19] =	ssyncadd.s32 $0xFFFFE280  }
0x29: {  	[spmem:s9] =	stream.linear.scatter [tilespmem:s12], [sflag:$0x5], $0x1D80, $0x38;
	[tilespmem:$0x15900] =	vst v63  }
0x2a: {  	_ =	swait.ge [sflag:s19], $0x1D80  }
0x2b: {  	[sflag:s19] =	ssyncset.done $0x0  }
0x2c: {  	[sflag:s19] =	ssyncadd.s32 $0xFFFFE280  }
0x2d: {  	[bflag:$0x0] =	sbarrier.arrive $0xFFFF  }
0x2e: {  	[tilespmem:$0x10000] =	vst v2  }
0x2f: {  	[tilespmem:$0x10010] =	vst v2  }
0x30: {  	[tilespmem:$0x10020] =	vst v2  }
0x31: {  	[tilespmem:$0x10030] =	vst v2  }
0x32: {  	[tilespmem:$0x10040] =	vst v2  }
0x33: {  	[tilespmem:$0x10050] =	vst v2  }
0x34: {  	[tilespmem:$0x10060] =	vst v2  }
0x35: {  	s0 =	simm.s32 $0x0;
	[tilespmem:$0x10070] =	vst v2;
	s1 =	rddreg [dreg:$0x4]  }
0x36: {  	[tilespmem:s0], [sflag:$0x1] =	stream.linear.gather [hbm4b:s1+s0], $0x2000, $0x38;
	[tilespmem:$0x15900] =	vst v63  }
0x37: {  	p2 =	por $0x1, $0x1;
	s15 =	rddreg [dreg:$0x5]  }
0x38: {  	[tilespmem:s20], [sflag:$0x1] =	stream.linear.gather [hbm4b:s15+s0], $0x2000, $0x38;
	[tilespmem:$0x15900] =	vst v63  }
0x39: {  	p0 =	por $0x0, $0x0;
	s18 =	rddreg [dreg:$0x6];
	s1 =	simm.s32 $0x0  }
0x3a: {  	[tilespmem:s21], [sflag:$0x1] =	stream.linear.gather [hbm4b:s18+s0], $0x2000, $0x38;
	[tilespmem:$0x15900] =	vst v63  }
.LBB2_4:
0x3b: {  	_ =	swait.ge [sflag:s22], $0x2000  }
0x3c: {  	[sflag:s22] =	ssyncset.done $0x0  }
0x3d: {  	[sflag:s22] =	ssyncadd.s32 $0xFFFFE000  }
0x3e: {  	_ =	swait.ge [sflag:s22], $0x2000  }
0x3f: {  	[sflag:s22] =	ssyncset.done $0x0  }
0x40: {  	[sflag:s22] =	ssyncadd.s32 $0xFFFFE000  }
0x41: {  	_ =	swait.ge [sflag:s22], $0x2000  }
0x42: {  	[sflag:s22] =	ssyncset.done $0x0  }
0x43: {  	s10 =	simm.s32 $0x0;
	[sflag:s22] =	ssyncadd.s32 $0xFFFFE000  }
0x44: {  	v3 =	vld [tilespmem:s10+$0x2000];
	_ =	sdelay $0x1  }
0x45: {  	v4 =	vld [tilespmem:s10+$0x0];
	_ =	sdelay $0x2  }
0x46: {  	v5 =	vadd.f32 $1.000000000e+01, v3;
	_ =	sdelay $0x1  }
0x47: {  	v6 =	vadd.f32 $2.000000000e+01, v4;
	v5 =	vmul.f32 v5, v0;
	_ =	sdelay $0x1  }
0x48: {  	v6 =	vmul.f32 v6, v0;
	v5 =	vtrunc.f32 v5  }
0x49: {  	v5 =	vcvt.f32.s32 v5  }
0x4a: {  	v6 =	vtrunc.f32 v6  }
0x4b: {  	v6 =	vcvt.f32.s32 v6;
	vm0 =	vgt.s32 v5, $0x0  }
0x4c: {  	vm1 =	vge.f32 v4, $-2.000000000e+01;
	vm2 =	vlt.f32 v4, $2.000000000e+01;
	v62 =	vnsel vm0, $0x0, v5  }
0x4d: {  	vm14 =	vge.f32 v3, $-1.000000000e+01;
	vm3 =	vgt.s32 v6, $0x0;
	v4 =	vmin.u32 v62, $0x12B  }
0x4e: {  	vm0 =	vmand vm1, vm14;
	v63 =	vnsel vm3, $0x0, v6;
	v4 =	vmul.u32 $0x190, v4  }
0x4f: {  	s18 =	sand.u32 $0x7E00, s0;
	vm15 =	vlt.f32 v3, $3.000000000e+01;
	vm0 =	vmand vm0, vm2;
	v3 =	vmin.u32 v63, $0x18F  }
0x50: {  	s11 =	sand.u32 $0x70, s0;
	s10 =	sshrl.u32 s18, $0x2;
	vm0 =	vmand vm15, vm0;
	v3 =	vadd.s32 v3, v4  }
0x51: {  	p1 =	por p2, p2;
	s12 =	simm.s32 $0x10;
	s10 =	sor.u32 s11, s10;
	v3 =	vnsel vm0, $0x1D4C0, v3  }
0x52: {  	s18 =	simm.s32 $0x40;
	s11 =	simm.s32 $0x80;
	[tilespmem:s10+$0x6000] =	vst v3;
	s10 =	simm.s32 $0x0  }
.LBB2_5:
0x53: {  	p2 =	sne.s32 s11, $0x7FC0;
	v3 =	vld [tilespmem:s12+$0x2000];
	_ =	sdelay $0x1  }
0x54: {  	v4 =	vld [tilespmem:s12+$0x0];
	_ =	sdelay $0x2  }
0x55: {  	v5 =	vadd.f32 $1.000000000e+01, v3;
	_ =	sdelay $0x1  }
0x56: {  	v6 =	vadd.f32 $2.000000000e+01, v4;
	v5 =	vmul.f32 v5, v0;
	_ =	sdelay $0x1  }
0x57: {  	v6 =	vmul.f32 v6, v0;
	v5 =	vtrunc.f32 v5  }
0x58: {  	v5 =	vcvt.f32.s32 v5  }
0x59: {  	v6 =	vtrunc.f32 v6  }
0x5a: {  	v6 =	vcvt.f32.s32 v6;
	vm0 =	vgt.s32 v5, $0x0  }
0x5b: {  	vm1 =	vge.f32 v4, $-2.000000000e+01;
	vm2 =	vlt.f32 v4, $2.000000000e+01;
	v4 =	vnsel vm0, $0x0, v5  }
0x5c: {  	vm0 =	vge.f32 v3, $-1.000000000e+01;
	vm3 =	vgt.s32 v6, $0x0;
	v4 =	vmin.u32 v4, $0x12B  }
.Ltmp1:
0x5d: {  	vm0 =	vmand vm1, vm0;
	v5 =	vnsel vm3, $0x0, v6;
	v4 =	vmul.u32 $0x190, v4;
	(pc) =	sbr.rel @p2 .LBB2_5-.Ltmp1, $4  }
0x5e: {  	s10 =	sadd.s32 $0x10, s10;
	s12 =	sand.u32 $0x7E00, s18;
	s18 =	smov.u32 s11;
	vm1 =	vlt.f32 v3, $3.000000000e+01;
	vm0 =	vmand vm0, vm2;
	v3 =	vmin.u32 v5, $0x18F  }
0x5f: {  	s15 =	sand.u32 $0x70, s10;
	s12 =	sshrl.u32 s12, $0x2;
	vm0 =	vmand vm1, vm0;
	v3 =	vadd.s32 v3, v4  }
0x60: {  	s15 =	sor.u32 s15, s12;
	v3 =	vnsel vm0, $0x1D4C0, v3  }
0x61: {  	s11 =	sadd.s32 $0x40, s11;
	s12 =	sshra.s32 s18, $0x2;
	[tilespmem:s15+$0x6000] =	vst v3  }
0x62: {  	v3 =	vld [tilespmem:s12+$0x2000];
	_ =	sdelay $0x1  }
0x63: {  	v4 =	vld [tilespmem:s12+$0x0];
	_ =	sdelay $0x2  }
0x64: {  	v5 =	vadd.f32 $1.000000000e+01, v3;
	_ =	sdelay $0x1  }
0x65: {  	v6 =	vadd.f32 $2.000000000e+01, v4;
	v5 =	vmul.f32 v5, v0;
	_ =	sdelay $0x1  }
0x66: {  	v6 =	vmul.f32 v6, v0;
	v5 =	vtrunc.f32 v5  }
0x67: {  	v5 =	vcvt.f32.s32 v5  }
0x68: {  	v6 =	vtrunc.f32 v6  }
0x69: {  	v6 =	vcvt.f32.s32 v6;
	vm0 =	vgt.s32 v5, $0x0  }
0x6a: {  	vm1 =	vge.f32 v4, $-2.000000000e+01;
	vm2 =	vlt.f32 v4, $2.000000000e+01;
	v62 =	vnsel vm0, $0x0, v5  }
0x6b: {  	vm14 =	vge.f32 v3, $-1.000000000e+01;
	vm3 =	vgt.s32 v6, $0x0;
	v4 =	vmin.u32 v62, $0x12B  }
.Ltmp2:
0x6c: {  	vm0 =	vmand vm1, vm14;
	v63 =	vnsel vm3, $0x0, v6;
	v4 =	vmul.u32 $0x190, v4;
	(pc) =	sbr.rel @!p0 .LBB2_10-.Ltmp2, $4  }
0x6d: {  	s11 =	sand.u32 $0x7E00, s18;
	s10 =	sadd.s32 $0x10, s10;
	vm15 =	vlt.f32 v3, $3.000000000e+01;
	vm0 =	vmand vm0, vm2;
	v3 =	vmin.u32 v63, $0x18F  }
0x6e: {  	s10 =	sand.u32 $0x70, s10;
	s11 =	sshrl.u32 s11, $0x2;
	vm0 =	vmand vm15, vm0;
	v3 =	vadd.s32 v3, v4  }
0x6f: {  	s10 =	sor.u32 s10, s11;
	v3 =	vnsel vm0, $0x1D4C0, v3  }
0x70: {  	[tilespmem:s10+$0x6000] =	vst v3;
	s10 =	simm.s32 $0x40  }
0x71: {  	_ =	swait.ge [sflag:s23], $0x80  }
0x72: {  	[sflag:s23] =	ssyncset.done $0x0  }
0x73: {  	[sflag:s23] =	ssyncadd.s32 $0xFFFFFF80  }
0x74: {  	_ =	swait.ge [sflag:s23], $0x80  }
0x75: {  	s10 =	sadd.s32 $0xFFFFFFFF, s10;
	[sflag:s23] =	ssyncset.done $0x0  }
.LBB2_8:
0x76: {  	p2 =	sne.s32 s10, $0x1;
	s10 =	sadd.s32 $0xFFFFFFFF, s10;
	[sflag:s23] =	ssyncadd.s32 $0xFFFFFF80  }
.Ltmp3:
0x77: {  	_ =	swait.ge [sflag:s23], $0x80;
	(pc) =	sbr.rel @p2 .LBB2_8-.Ltmp3, $4  }
0x78: {  	[sflag:s23] =	ssyncset.done $0x0  }
0x79: {  	[sflag:s23] =	ssyncadd.s32 $0xFFFFFF80  }
0x7a: {  	_ =	swait.ge [sflag:s23], $0x80  }
0x7b: {  	[sflag:s23] =	ssyncset.done $0x0  }
0x7c: {  	[sflag:s23] =	ssyncadd.s32 $0xFFFFFF80  }
.LBB2_10:
0x7d: {  	s1 =	sor.u32 s13, s1  }
0x7e: {  	s1 =	sshrl.u32 s1, $0x3  }
0x7f: {  	s11 =	simm.s32 $0x0;
	s10 =	sadd.s32 s5, s1  }
0x80: {  	[tilespmem:s24], [sflag:$0x2] =	stream.linear.gather [hbm4b:s10+s11], $0x2000, $0x38;
	[tilespmem:$0x15900] =	vst v63  }
0x81: {  	s15 =	sadd.s32 s6, s1  }
0x82: {  	[tilespmem:s25], [sflag:$0x2] =	stream.linear.gather [hbm4b:s15+s11], $0x2000, $0x38;
	[tilespmem:$0x15900] =	vst v63  }
0x83: {  	s1 =	sadd.s32 s7, s1  }
0x84: {  	[tilespmem:s26], [sflag:$0x2] =	stream.linear.gather [hbm4b:s1+s11], $0x2000, $0x38;
	[tilespmem:$0x15900] =	vst v63  }
0x85: {  	s18 =	simm.s32 $0x4000;
	s10 =	simm.s32 $0x6000;
	s1 =	simm.s32 $0x200  }
0x86: {  	[spmem:s2] =	stream.indirect.scatter.add.f32 [tilespmem:s18], [sflag:$0x3], $0x1, s10, s28, $0xb8;
	[tilespmem:$0x15900] =	vst v63  }
.LBB2_11:
0x87: {  	[spmem:s3] =	stream.indirect.scatter.add.f32 [tilespmem:s29], [sflag:$0x3], $0x1, s10, s28, $0xb8;
	[tilespmem:$0x15900] =	vst v63  }
0x88: {  	p2 =	sne.s32 s1, $0x7E00  }
.Ltmp4:
0x89: {  	s10 =	smov.u32 s1;
	(pc) =	sbr.rel @p2 .LBB2_11-.Ltmp4, $4  }
0x8a: {  	s1 =	sadd.s32 $0x200, s1  }
0x8b: {  	s10 =	sshra.s32 s10, $0x2  }
0x8c: {  	s11 =	sadd.s32 $0x4000, s10;
	s10 =	sadd.s32 $0x6000, s10  }
0x8d: {  	[spmem:s2] =	stream.indirect.scatter.add.f32 [tilespmem:s11], [sflag:$0x3], $0x1, s10, s28, $0xb8;
	[tilespmem:$0x15900] =	vst v63  }
0x8e: {  	[spmem:s3] =	stream.indirect.scatter.add.f32 [tilespmem:s29], [sflag:$0x3], $0x1, s10, s28, $0xb8;
	[tilespmem:$0x15900] =	vst v63  }
0x8f: {  	_ =	swait.ge [sflag:s30], $0x2000  }
0x90: {  	[sflag:s30] =	ssyncset.done $0x0  }
0x91: {  	[sflag:s30] =	ssyncadd.s32 $0xFFFFE000  }
0x92: {  	_ =	swait.ge [sflag:s30], $0x2000  }
0x93: {  	[sflag:s30] =	ssyncset.done $0x0  }
0x94: {  	[sflag:s30] =	ssyncadd.s32 $0xFFFFE000  }
0x95: {  	_ =	swait.ge [sflag:s30], $0x2000  }
0x96: {  	[sflag:s30] =	ssyncset.done $0x0  }
0x97: {  	s1 =	simm.s32 $0x0;
	[sflag:s30] =	ssyncadd.s32 $0xFFFFE000  }
0x98: {  	v3 =	vld [tilespmem:s1+$0xA000];
	_ =	sdelay $0x1  }
0x99: {  	v4 =	vld [tilespmem:s1+$0x8000];
	_ =	sdelay $0x2  }
0x9a: {  	v5 =	vadd.f32 $1.000000000e+01, v3;
	_ =	sdelay $0x1  }
0x9b: {  	v6 =	vadd.f32 $2.000000000e+01, v4;
	v5 =	vmul.f32 v5, v0;
	_ =	sdelay $0x1  }
0x9c: {  	v6 =	vmul.f32 v6, v0;
	v5 =	vtrunc.f32 v5  }
0x9d: {  	v5 =	vcvt.f32.s32 v5  }
0x9e: {  	v6 =	vtrunc.f32 v6  }
0x9f: {  	v6 =	vcvt.f32.s32 v6;
	vm0 =	vgt.s32 v5, $0x0  }
0xa0: {  	vm1 =	vge.f32 v4, $-2.000000000e+01;
	vm2 =	vlt.f32 v4, $2.000000000e+01;
	v62 =	vnsel vm0, $0x0, v5  }
0xa1: {  	vm14 =	vge.f32 v3, $-1.000000000e+01;
	vm3 =	vgt.s32 v6, $0x0;
	v4 =	vmin.u32 v62, $0x12B  }
0xa2: {  	s1 =	simm.s32 $0x0;
	vm0 =	vmand vm1, vm14;
	v63 =	vnsel vm3, $0x0, v6;
	v4 =	vmul.u32 $0x190, v4  }
0xa3: {  	s18 =	sand.u32 $0x7E00, s1;
	vm15 =	vlt.f32 v3, $3.000000000e+01;
	vm0 =	vmand vm0, vm2;
	v3 =	vmin.u32 v63, $0x18F  }
0xa4: {  	s11 =	sand.u32 $0x70, s1;
	s10 =	sshrl.u32 s18, $0x2;
	vm0 =	vmand vm15, vm0;
	v3 =	vadd.s32 v3, v4  }
0xa5: {  	s15 =	sor.u32 s11, s10;
	v3 =	vnsel vm0, $0x1D4C0, v3  }
0xa6: {  	s12 =	simm.s32 $0x10;
	s10 =	simm.s32 $0x40;
	s11 =	simm.s32 $0x80;
	[tilespmem:s15+$0xE000] =	vst v3  }
.LBB2_13:
0xa7: {  	p2 =	sne.s32 s11, $0x7FC0;
	v3 =	vld [tilespmem:s12+$0xA000];
	_ =	sdelay $0x1  }
0xa8: {  	v4 =	vld [tilespmem:s12+$0x8000];
	_ =	sdelay $0x2  }
0xa9: {  	v5 =	vadd.f32 $1.000000000e+01, v3;
	_ =	sdelay $0x1  }
0xaa: {  	v6 =	vadd.f32 $2.000000000e+01, v4;
	v5 =	vmul.f32 v5, v0;
	_ =	sdelay $0x1  }
0xab: {  	v6 =	vmul.f32 v6, v0;
	v5 =	vtrunc.f32 v5  }
0xac: {  	v5 =	vcvt.f32.s32 v5  }
0xad: {  	v6 =	vtrunc.f32 v6  }
0xae: {  	v6 =	vcvt.f32.s32 v6;
	vm0 =	vgt.s32 v5, $0x0  }
0xaf: {  	vm1 =	vge.f32 v4, $-2.000000000e+01;
	vm2 =	vlt.f32 v4, $2.000000000e+01;
	v4 =	vnsel vm0, $0x0, v5  }
0xb0: {  	vm0 =	vge.f32 v3, $-1.000000000e+01;
	vm3 =	vgt.s32 v6, $0x0;
	v4 =	vmin.u32 v4, $0x12B  }
.Ltmp5:
0xb1: {  	vm0 =	vmand vm1, vm0;
	v5 =	vnsel vm3, $0x0, v6;
	v4 =	vmul.u32 $0x190, v4;
	(pc) =	sbr.rel @p2 .LBB2_13-.Ltmp5, $4  }
0xb2: {  	s1 =	sadd.s32 $0x10, s1;
	s12 =	sand.u32 $0x7E00, s10;
	s10 =	smov.u32 s11;
	vm1 =	vlt.f32 v3, $3.000000000e+01;
	vm0 =	vmand vm0, vm2;
	v3 =	vmin.u32 v5, $0x18F  }
0xb3: {  	s15 =	sand.u32 $0x70, s1;
	s12 =	sshrl.u32 s12, $0x2;
	vm0 =	vmand vm1, vm0;
	v3 =	vadd.s32 v3, v4  }
0xb4: {  	s15 =	sor.u32 s15, s12;
	v3 =	vnsel vm0, $0x1D4C0, v3  }
0xb5: {  	s11 =	sadd.s32 $0x40, s11;
	s12 =	sshra.s32 s10, $0x2;
	[tilespmem:s15+$0xE000] =	vst v3  }
0xb6: {  	v3 =	vld [tilespmem:s12+$0xA000];
	_ =	sdelay $0x1  }
0xb7: {  	v4 =	vld [tilespmem:s12+$0x8000];
	_ =	sdelay $0x2  }
0xb8: {  	v5 =	vadd.f32 $1.000000000e+01, v3;
	_ =	sdelay $0x1  }
0xb9: {  	v6 =	vadd.f32 $2.000000000e+01, v4;
	v5 =	vmul.f32 v5, v0;
	_ =	sdelay $0x1  }
0xba: {  	v6 =	vmul.f32 v6, v0;
	v5 =	vtrunc.f32 v5  }
0xbb: {  	v5 =	vcvt.f32.s32 v5  }
0xbc: {  	v6 =	vtrunc.f32 v6  }
0xbd: {  	v6 =	vcvt.f32.s32 v6;
	vm0 =	vgt.s32 v5, $0x0  }
0xbe: {  	vm1 =	vge.f32 v4, $-2.000000000e+01;
	vm2 =	vlt.f32 v4, $2.000000000e+01;
	v62 =	vnsel vm0, $0x0, v5  }
0xbf: {  	vm14 =	vge.f32 v3, $-1.000000000e+01;
	vm3 =	vgt.s32 v6, $0x0;
	v4 =	vmin.u32 v62, $0x12B  }
0xc0: {  	vm0 =	vmand vm1, vm14;
	v63 =	vnsel vm3, $0x0, v6;
	v4 =	vmul.u32 $0x190, v4  }
0xc1: {  	s10 =	sand.u32 $0x7E00, s10;
	s1 =	sadd.s32 $0x10, s1;
	vm15 =	vlt.f32 v3, $3.000000000e+01;
	vm0 =	vmand vm0, vm2;
	v3 =	vmin.u32 v63, $0x18F  }
0xc2: {  	s1 =	sand.u32 $0x70, s1;
	s10 =	sshrl.u32 s10, $0x2;
	vm0 =	vmand vm15, vm0;
	v3 =	vadd.s32 v3, v4  }
0xc3: {  	s1 =	sor.u32 s1, s10;
	v3 =	vnsel vm0, $0x1D4C0, v3  }
0xc4: {  	[tilespmem:s1+$0xE000] =	vst v3  }
0xc5: {  	_ =	swait.ge [sflag:s31], $0x80  }
0xc6: {  	[sflag:s31] =	ssyncset.done $0x0  }
0xc7: {  	[sflag:s31] =	ssyncadd.s32 $0xFFFFFF80  }
0xc8: {  	_ =	swait.ge [sflag:s31], $0x80  }
0xc9: {  	s1 =	simm.s32 $0x3F;
	[sflag:s31] =	ssyncset.done $0x0  }
.LBB2_15:
0xca: {  	p2 =	sne.s32 s1, $0x1;
	s1 =	sadd.s32 $0xFFFFFFFF, s1;
	[sflag:s31] =	ssyncadd.s32 $0xFFFFFF80  }
.Ltmp6:
0xcb: {  	_ =	swait.ge [sflag:s31], $0x80;
	(pc) =	sbr.rel @p2 .LBB2_15-.Ltmp6, $4  }
0xcc: {  	[sflag:s31] =	ssyncset.done $0x0  }
0xcd: {  	[sflag:s31] =	ssyncadd.s32 $0xFFFFFF80  }
0xce: {  	_ =	swait.ge [sflag:s31], $0x80  }
0xcf: {  	[sflag:s31] =	ssyncset.done $0x0  }
0xd0: {  	s1 =	simm.s32 $0x2000  }
0xd1: {  	s1 =	simm.s32 @!p0 $0x0  }
0xd2: {  	s1 =	sor.u32 s14, s1  }
0xd3: {  	s1 =	sshrl.u32 s1, $0x3  }
0xd4: {  	[sflag:s31] =	ssyncadd.s32 $0xFFFFFF80;
	s11 =	simm.s32 $0x0;
	s10 =	sadd.s32 s5, s1  }
0xd5: {  	[tilespmem:s11], [sflag:$0x1] =	stream.linear.gather [hbm4b:s10+s11], $0x2000, $0x38;
	[tilespmem:$0x15900] =	vst v63  }
0xd6: {  	s15 =	sadd.s32 s6, s1  }
0xd7: {  	[tilespmem:s20], [sflag:$0x1] =	stream.linear.gather [hbm4b:s15+s11], $0x2000, $0x38;
	[tilespmem:$0x15900] =	vst v63  }
0xd8: {  	s1 =	sadd.s32 s7, s1  }
0xd9: {  	[tilespmem:s21], [sflag:$0x1] =	stream.linear.gather [hbm4b:s1+s11], $0x2000, $0x38;
	[tilespmem:$0x15900] =	vst v63  }
0xda: {  	s18 =	simm.s32 $0xC000;
	s10 =	simm.s32 $0xE000;
	s1 =	simm.s32 $0x200  }
0xdb: {  	[spmem:s2] =	stream.indirect.scatter.add.f32 [tilespmem:s18], [sflag:$0x4], $0x1, s10, s28, $0xb8;
	[tilespmem:$0x15900] =	vst v63  }
.LBB2_17:
0xdc: {  	[spmem:s3] =	stream.indirect.scatter.add.f32 [tilespmem:s29], [sflag:$0x4], $0x1, s10, s28, $0xb8;
	[tilespmem:$0x15900] =	vst v63  }
0xdd: {  	p0 =	sne.s32 s1, $0x7E00  }
.Ltmp7:
0xde: {  	s10 =	smov.u32 s1;
	(pc) =	sbr.rel @p0 .LBB2_17-.Ltmp7, $4  }
0xdf: {  	s1 =	sadd.s32 $0x200, s1  }
0xe0: {  	s10 =	sshra.s32 s10, $0x2  }
0xe1: {  	s11 =	sadd.s32 $0xC000, s10;
	s10 =	sadd.s32 $0xE000, s10  }
0xe2: {  	[spmem:s2] =	stream.indirect.scatter.add.f32 [tilespmem:s11], [sflag:$0x4], $0x1, s10, s28, $0xb8;
	[tilespmem:$0x15900] =	vst v63  }
.Ltmp8:
0xe3: {  	(pc) =	sbr.rel @p1 .LBB2_4-.Ltmp8, $3  }
0xe4: {  	_ =	sdelay $0x1  }
0xe5: {  	[spmem:s3] =	stream.indirect.scatter.add.f32 [tilespmem:s29], [sflag:$0x4], $0x1, s10, s28, $0xb8;
	[tilespmem:$0x15900] =	vst v63  }
0xe6: {  	s1 =	simm.s32 $0x4000;
	p2 =	por $0x0, $0x0;
	p0 =	por $0x1, $0x1  }
0xe7: {  	_ =	swait.ge [sflag:s22], $0x2000  }
0xe8: {  	[sflag:s22] =	ssyncset.done $0x0  }
0xe9: {  	[sflag:s22] =	ssyncadd.s32 $0xFFFFE000  }
0xea: {  	_ =	swait.ge [sflag:s22], $0x2000  }
0xeb: {  	[sflag:s22] =	ssyncset.done $0x0  }
0xec: {  	[sflag:s22] =	ssyncadd.s32 $0xFFFFE000  }
0xed: {  	_ =	swait.ge [sflag:s22], $0x2000  }
0xee: {  	[sflag:s22] =	ssyncset.done $0x0  }
0xef: {  	[sflag:s22] =	ssyncadd.s32 $0xFFFFE000  }
0xf0: {  	_ =	swait.ge [sflag:s23], $0x80  }
0xf1: {  	[sflag:s23] =	ssyncset.done $0x0  }
0xf2: {  	[sflag:s23] =	ssyncadd.s32 $0xFFFFFF80  }
0xf3: {  	_ =	swait.ge [sflag:s23], $0x80  }
0xf4: {  	s0 =	simm.s32 $0x3F;
	[sflag:s23] =	ssyncset.done $0x0  }
.LBB2_20:
0xf5: {  	p0 =	sne.s32 s0, $0x1;
	s0 =	sadd.s32 $0xFFFFFFFF, s0;
	[sflag:s23] =	ssyncadd.s32 $0xFFFFFF80  }
.Ltmp9:
0xf6: {  	_ =	swait.ge [sflag:s23], $0x80;
	(pc) =	sbr.rel @p0 .LBB2_20-.Ltmp9, $4  }
0xf7: {  	[sflag:s23] =	ssyncset.done $0x0  }
0xf8: {  	[sflag:s23] =	ssyncadd.s32 $0xFFFFFF80  }
0xf9: {  	_ =	swait.ge [sflag:s23], $0x80  }
0xfa: {  	[sflag:s23] =	ssyncset.done $0x0  }
0xfb: {  	[sflag:s23] =	ssyncadd.s32 $0xFFFFFF80;
	s0 =	stileid.u32  }
0xfc: {  	s0 =	sshll.u32 s0, $0x6;
	[bflag:$0x0] =	sbarrier.arrive $0xFFFF  }
0xfd: {  	s1 =	sshrl.u32 s8, $0x3;
	s0 =	sor.u32 $0x1C05, s0;
	s10 =	rddreg [dreg:$0x7]  }
0xfe: {  	[hbm:s10], [sflag:s0] =	dma.local [spmem:s1], $0x3B0  }
0xff: {  	s4 =	sadd.s32 $0x1, s4;
	_ =	swait.ge [sflag:s19], $0x3B0  }
0x100: {  	p0 =	sne.s32 s4, s17;
	[sflag:s19] =	ssyncset.done $0x0  }
.Ltmp10:
0x101: {  	s18 =	sshrl.u32 s9, $0x3;
	[sflag:s19] =	ssyncadd.s32 $0xFFFFFC50;
	(pc) =	sbr.rel @p0 .LBB2_1-.Ltmp10, $4  }
0x102: {  	[hbm:s16], [sflag:s0] =	dma.local [spmem:s18], $0x3B0  }
0x103: {  	_ =	swait.ge [sflag:s19], $0x3B0  }
0x104: {  	[sflag:s19] =	ssyncset.done $0x0  }
0x105: {  	[sflag:s19] =	ssyncadd.s32 $0xFFFFFC50  }
0x106: {  	_ =	sfence.sel $0x180000  }
0x107: {  	[bflag:$0x0] =	sbarrier.arrive $0xFFFF  }
0x108: {  	_ =	strace $0x90000047  }
0x109: {  	s0 =	stileid.u32;
	[bflag:$0x2] =	sbarrier.arrive $0xFFFF  }
0x10a: {  	p0 =	sne.s32 s0, $0x0;
	s0 =	rddreg [dreg:$0x3]  }
0x10b: {  	s0 =	sadd.s32 @!p0 $0x100000, s0  }
0x10c: {  	[sflag:s0] =	ssyncadd.tile.s32 @!p0 $0x1;
	_ =	shalt  }
.Lfunc_end2:
_tile_overlayer_lowered:
.L_overlay_start_2:
0x10d: {  	(tag) =	ssettag $0x2  }
0x10e: {  	s0 =	rddreg [dreg:$0x0];
	s2 =	stileid.u32  }
0x10f: {  	s1 =	rddreg [dreg:$0x1];
	p0 =	sne.s32 s2, $0x0  }
0x110: {  	s3 =	rddreg [dreg:$0x2];
	[bflag:$0x3] =	sbarrier.arrive $0xFFFF;
	s2 =	simm.s32 @!p0 $0x1C05  }
0x111: {  	[timem:s3], [sflag:s2] =	dma.local @!p0 [hbm:s0], s1  }
0x112: {  	s0 =	simm.s32 @!p0 $0x5  }
0x113: {  	_ =	swait.ge @!p0 [sflag:s0], s1  }
0x114: {  	s1 =	ssub.s32 @!p0 $0x0, s1;
	[sflag:s0] =	ssyncset.done @!p0 $0x0  }
0x115: {  	[sflag:s0] =	ssyncadd.s32 @!p0 s1  }
0x116: {  	[bflag:$0x3] =	sbarrier.arrive $0xFFFF  }
0x117: {  	_ =	shalt  }

// kernel: kernel.8.cloned.1.call-start
scs
__scs_entry_jumppad:
0x0: {  	(pc) =	sbr.rel $0x88, $3  }
0x1: {  	(tag) =	ssettag $0x0;
	lr =	simm.s32 $0x1  }
0x2: {  	[smem:$0x3FA0] =	sst lr;
	_ =	strace $0xD0000000  }
0x3: {  	_ = 	snop  }
0x4: {  	_ = 	snop  }
0x5: {  	_ = 	snop  }
0x6: {  	_ = 	snop  }
0x7: {  	_ = 	snop  }
__scs_overlays_trampoline_lowered:
0x8: {  	[smem:$0x3FAF] =	sst s0  }
0x9: {  	[smem:$0x3FB0] =	sst s1  }
0xa: {  	[smem:$0x3FB1] =	sst s2  }
0xb: {  	[smem:$0x3FB2] =	sst s3  }
0xc: {  	[smem:$0x3FB3] =	sst s4  }
0xd: {  	[smem:$0x3FB4] =	sst s5  }
0xe: {  	[smem:$0x3FB5] =	sst s6  }
0xf: {  	[smem:$0x3FB6] =	sst s7  }
0x10: {  	[smem:$0x3FB7] =	sst s8  }
0x11: {  	[smem:$0x3FB8] =	sst s9;
	s0 =	simm.s32 @!p0 $0x0  }
0x12: {  	s1 =	sld [smem:$0x3F9E];
	s0 =	simm.s32 @p0 $0x1  }
0x13: {  	[smem:$0x3FB9] =	sst s0;
	s0 =	simm.s32 @!p1 $0x0  }
0x14: {  	s2 =	sld [smem:$0x3F9D];
	s0 =	simm.s32 @p1 $0x1  }
0x15: {  	[smem:$0x3FBA] =	sst s0;
	s0 =	simm.s32 @!p2 $0x0  }
0x16: {  	s3 =	sld [smem:$0x3FDB];
	s0 =	simm.s32 @p2 $0x1  }
0x17: {  	s4 =	simm.s32 $0x1BF5;
	[smem:$0x3FBC] =	sst s0  }
0x18: {  	s0 =	sld [smem:$0x3F9F];
	_ =	swait.ge [sflag:s4], $0x0  }
0x19: {  	s7 =	sld [smem:$0x3FA0]  }
0x1a: {  	s8 =	sadd.s32 $0xFFFFE003, lr  }
0x1b: {  	s9 =	sadd.s32 $0xFFFFFEF7, lr;
	s5 =	simm.s32 $0xFFFFFFFF;
	p2 =	slt.u32 s8, $0xFFFFF086  }
0x1c: {  	p1 =	slt.u32 s9, $0xF7A;
	s5 =	simm.s32 @!p2 $0x0  }
0x1d: {  	s5 =	simm.s32 @p1 $0x1;
	p0 =	seq.s32 s7, s2  }
0x1e: {  	s7 =	smul.u32 @!p0 $0xF7A, s2;
	p2 =	seq.s32 @!p0 s5, $0x0  }
0x1f: {  	s9 =	smul.u32 $0xF7A, s1;
	s8 =	simm.s32 @!p0 $0x1BF5;
	p2 =	por !p2, p0  }
0x20: {  	[sflag:s8] =	ssyncset.s32 @!p0 $0xFFFFF086;
	s6 =	sadd.s32 @!p0 s3, s7;
	s7 =	simm.s32 @!p0 $0x108  }
0x21: {  	s3 =	sadd.s32 s3, s9;
	s6 =	sadd.s32 @!p0 $0x88, s6;
	s7 =	simm.s32 @p2 $0x1082  }
0x22: {  	[simem:s7], [sflag:s8] =	dma.local @!p0 [hbm:s6], $0xF7A  }
0x23: {  	s9 =	sor.u32 $0xD0000000, s2;
	s6 =	simm.s32 $0x108;
	_ =	swait.ge @!p0 [sflag:s8], $0x0  }
0x24: {  	s3 =	sadd.s32 $0x88, s3;
	s6 =	simm.s32 @!p1 $0x1082;
	[sflag:s4] =	ssyncset.s32 $0xFFFFF086  }
0x25: {  	[simem:s6], [sflag:s4] =	dma.local [hbm:s3], $0xF7A  }
0x26: {  	[smem:$0x3FA0] =	sst s1;
	(tag) =	ssettag s2;
	_ =	strace s9  }
0x27: {  	s1 =	sld [smem:$0x3FB0]  }
0x28: {  	s2 =	sld [smem:$0x3FB1]  }
0x29: {  	s4 =	sld [smem:$0x3FB3]  }
0x2a: {  	p0 =	seq.s32 s5, $0x0;
	s5 =	sld [smem:$0x3FB4]  }
0x2b: {  	s6 =	sld [smem:$0x3FB5]  }
0x2c: {  	s7 =	sld [smem:$0x3FB6]  }
0x2d: {  	s3 =	simm.s32 $0x108;
	s8 =	sld [smem:$0x3FB7]  }
0x2e: {  	s3 =	simm.s32 @!p0 $0x1082;
	s9 =	sld [smem:$0x3FB8]  }
0x2f: {  	lr =	sadd.s32 s0, s3;
	s0 =	sld [smem:$0x3FAF]  }
0x30: {  	s3 =	sld [smem:$0x3FB2]  }
0x31: {  	[smem:$0x3FBB] =	sst s10  }
0x32: {  	s10 =	sld [smem:$0x3FB9];
	_ =	sdelay $0x3  }
0x33: {  	p0 =	seq.s32 s10, $0x1;
	s10 =	sld [smem:$0x3FBB];
	_ =	sdelay $0x3  }
0x34: {  	[smem:$0x3FBB] =	sst s10  }
0x35: {  	s10 =	sld [smem:$0x3FBA];
	_ =	sdelay $0x3  }
0x36: {  	p1 =	seq.s32 s10, $0x1;
	s10 =	sld [smem:$0x3FBB];
	_ =	sdelay $0x3  }
0x37: {  	[smem:$0x3FBB] =	sst s10  }
0x38: {  	s10 =	sld [smem:$0x3FBC]  }
0x39: {  	_ = 	snop;
	(pc) =	sbr.ind lr, $3  }
0x3a: {  	_ = 	snop  }
0x3b: {  	_ = 	snop  }
0x3c: {  	p2 =	seq.s32 s10, $0x1;
	s10 =	sld [smem:$0x3FBB]  }
0x3d: {  	_ =	shalt  }
0x3e: {  	_ =	shalt  }
0x3f: {  	_ =	shalt  }
0x40: {  	_ =	shalt  }
0x41: {  	_ =	shalt  }
0x42: {  	_ =	shalt  }
0x43: {  	_ =	shalt  }
0x44: {  	_ =	shalt  }
0x45: {  	_ =	shalt  }
0x46: {  	_ =	shalt  }
0x47: {  	_ =	shalt  }
0x48: {  	_ =	shalt  }
0x49: {  	_ =	shalt  }
0x4a: {  	_ =	shalt  }
0x4b: {  	_ =	shalt  }
0x4c: {  	_ =	shalt  }
0x4d: {  	_ =	shalt  }
0x4e: {  	_ =	shalt  }
0x4f: {  	_ =	shalt  }
0x50: {  	_ =	shalt  }
0x51: {  	_ =	shalt  }
0x52: {  	_ =	shalt  }
0x53: {  	_ =	shalt  }
0x54: {  	_ =	shalt  }
0x55: {  	_ =	shalt  }
0x56: {  	_ =	shalt  }
0x57: {  	_ =	shalt  }
0x58: {  	_ =	shalt  }
0x59: {  	_ =	shalt  }
0x5a: {  	_ =	shalt  }
0x5b: {  	_ =	shalt  }
0x5c: {  	_ =	shalt  }
0x5d: {  	_ =	shalt  }
0x5e: {  	_ =	shalt  }
0x5f: {  	_ =	shalt  }
0x60: {  	_ =	shalt  }
0x61: {  	_ =	shalt  }
0x62: {  	_ =	shalt  }
0x63: {  	_ =	shalt  }
0x64: {  	_ =	shalt  }
0x65: {  	_ =	shalt  }
0x66: {  	_ =	shalt  }
0x67: {  	_ =	shalt  }
0x68: {  	_ =	shalt  }
0x69: {  	_ =	shalt  }
0x6a: {  	_ =	shalt  }
0x6b: {  	_ =	shalt  }
0x6c: {  	_ =	shalt  }
0x6d: {  	_ =	shalt  }
0x6e: {  	_ =	shalt  }
0x6f: {  	_ =	shalt  }
0x70: {  	_ =	shalt  }
0x71: {  	_ =	shalt  }
0x72: {  	_ =	shalt  }
0x73: {  	_ =	shalt  }
0x74: {  	_ =	shalt  }
0x75: {  	_ =	shalt  }
0x76: {  	_ =	shalt  }
0x77: {  	_ =	shalt  }
0x78: {  	_ =	shalt  }
0x79: {  	_ =	shalt  }
0x7a: {  	_ =	shalt  }
0x7b: {  	_ =	shalt  }
0x7c: {  	_ =	shalt  }
0x7d: {  	_ =	shalt  }
0x7e: {  	_ =	shalt  }
0x7f: {  	_ =	shalt  }
0x80: {  	_ =	shalt  }
0x81: {  	_ =	shalt  }
0x82: {  	_ =	shalt  }
0x83: {  	_ =	shalt  }
0x84: {  	_ =	shalt  }
0x85: {  	_ =	shalt  }
0x86: {  	_ =	shalt  }
0x87: {  	_ =	shalt  }
.Lfunc_end0:
.L_simem_size_0:
called_computation.1_lowered:
.L_overlay_start_0:
0x88: {  	s2 =	sld [smem:$0x3FD9]  }
0x89: {  	s3 =	sld [smem:$0x3FFE];
	_ =	sdelay $0x1  }
0x8a: {  	s1 =	srdreg.scid  }
0x8b: {  	s0 =	sand.u32 $0x1, s1  }
0x8c: {  	s17 =	sshll.u32 s0, $0xA;
	s2 =	sadd.s32 s3, s2  }
0x8d: {  	s2 =	sadd.s32 s2, s17  }
0x8e: {  	[smem:$0x3FC7] =	sst s2  }
0x8f: {  	_ = 	snop  }
0x90: {  	(tm) =	ssettm $0x1  }
0x91: {  	s18 =	sld [smem:$0x3FFB];
	_ =	sdelay $0x3  }
0x92: {  	_ =	strace s18  }
0x93: {  	s2 =	sld [smem:$0x3FFC];
	_ =	sdelay $0x3  }
0x94: {  	_ =	strace s2  }
0x95: {  	s2 =	sld [smem:$0x3FFD];
	_ =	sdelay $0x3  }
0x96: {  	_ =	strace s2  }
0x97: {  	_ =	strace $0x8FFFFFFF  }
0x98: {  	s19 =	sld [smem:$0x3FDB];
	_ =	sdelay $0x1  }
0x99: {  	s20 =	simm.s32 $_scs_section_size  }
0x9a: {  	s4 =	simm.s32 $_size__tile_overlayer_lowered;
	s5 =	simm.s32 $_tile_overlayer_lowered  }
0x9b: {  	s6 =	simm.s32 $0x1BFF;
	s21 =	sshll.u32 s5, $0x1;
	s3 =	sadd.s32 s20, s19  }
0x9c: {  	s22 =	simm.s32 $0x0;
	s4 =	sshll.u32 s4, $0x1;
	s5 =	sadd.s32 s21, s3  }
0x9d: {  	[timem:s22], [sflag:s6] =	dma.local [hbm:s5], s4  }
0x9e: {  	_ =	swait.ge [sflag:s6], s4  }
0x9f: {  	s4 =	ssub.s32 $0x0, s4;
	[sflag:s6] =	ssyncset.done $0x0  }
0xa0: {  	[sflag:s6] =	ssyncadd.s32 s4;
	_ =	sdelay $0x1  }
0xa1: {  	s23 =	simm.s32 $0x1B8B  }
0xa2: {  	_ =	swait.ge [sflag:s23], $0x1  }
0xa3: {  	[sflag:s23] =	ssyncset.done $0x0  }
0xa4: {  	[sflag:s23] =	ssyncadd.s32 $0xFFFFFFFF  }
0xa5: {  	s4 =	sld [smem:$0x0]  }
0xa6: {  	s5 =	sand.u32 $0xFFFFFFFE, s1  }
0xa7: {  	p0 =	sne.s32 s1, s5  }
0xa8: {  	s5 =	sshll.u32 @p0 s5, $0xE  }
0xa9: {  	s5 =	sadd.s32 @p0 $0x11B8D, s5;
	s6 =	sshll.u32 @p0 s4, $0x11  }
0xaa: {  	s5 =	sor.u32 @p0 s6, s5  }
0xab: {  	[sflag:s5] =	ssyncadd.remote.s32 @p0 $0x1;
	_ =	sdelay $0x1  }
0xac: {  	s5 =	simm.s32 @p0 $0x1B8D  }
0xad: {  	_ =	swait.eq @p0 [sflag:s5], $0x1  }
0xae: {  	[sflag:s5] =	ssyncadd.s32 @p0 $0xFFFFFFFF  }
0xaf: {  	s6 =	sshll.u32 @!p0 s1, $0xE  }
0xb0: {  	s6 =	sor.u32 @!p0 $0x4000, s6;
	s5 =	simm.s32 @!p0 $0x1B8D  }
0xb1: {  	s4 =	sshll.u32 @!p0 s4, $0x11;
	s6 =	sadd.s32 @!p0 $0x11B8D, s6;
	_ =	swait.eq @!p0 [sflag:s5], $0x1  }
0xb2: {  	s4 =	sor.u32 @!p0 s4, s6;
	[sflag:s5] =	ssyncadd.s32 @!p0 $0xFFFFFFFF  }
0xb3: {  	s25 =	simm.s32 $0x1B8E;
	s24 =	sld [smem:$0x3FFE];
	[sflag:s4] =	ssyncadd.remote.s32 @!p0 $0x1  }
0xb4: {  	s26 =	simm.s32 $execute0_lowered;
	[smem:$0x3FD2] =	sst s25  }
0xb5: {  	s5 =	sshll.u32 s26, $0x1;
	_ =	strace $0x80000049;
	[dreg:$0x1] =	wrdreg $0xFFFFFFFF  }
0xb6: {  	s28 =	simm.s32 $_size_execute0_lowered;
	s3 =	sadd.s32 s3, s5;
	[dreg:$0x0] =	wrdreg $0x0  }
0xb7: {  	s5 =	sshll.u32 s28, $0x1;
	[dreg:$0x2] =	wrdreg s3  }
0xb8: {  	[dreg:$0x3] =	wrdreg s5  }
0xb9: {  	[dreg:$0x4] =	wrdreg $0xC0  }
0xba: {  	_ =	task [dreg:s22], $0x5FFFF  }
0xbb: {  	[dreg:$0x1] =	wrdreg $0xFFFFFFFF  }
0xbc: {  	[dreg:$0x0] =	wrdreg $0x60  }
0xbd: {  	[dreg:$0x2] =	wrdreg s24  }
0xbe: {  	[dreg:$0x3] =	wrdreg $0xA  }
0xbf: {  	_ =	task.clear_ibuf [dreg:s22], $0x4FFFF;
	_ =	strace $0x90000049  }
0xc0: {  	s29 =	simm.s32 $0xA;
	_ =	strace $0x8000004B  }
0xc1: {  	_ =	swait.ge [sflag:s29], $0x1  }
0xc2: {  	[sflag:s29] =	ssyncadd.s32 $0xFFFFFFFF  }
0xc3: {  	_ =	strace $0x9000004B  }
0xc4: {  	_ =	sfence  }
0xc5: {  	s30 =	sld [smem:$0x0];
	_ =	sdelay $0x2  }
0xc6: {  	s31 =	sshll.u32 s1, $0xD;
	s1 =	sshrl.u32 s1, $0x2  }
0xc7: {  	s4 =	sand.u32 $0x4000, s31;
	s1 =	sadd.s32 s1, s30  }
0xc8: {  	s0 =	sor.u32 s4, s0;
	s1 =	sshll.u32 s1, $0x11  }
0xc9: {  	s0 =	sor.u32 s1, s0  }
0xca: {  	s0 =	sadd.s32 $0x8F2B, s0  }
0xcb: {  	[sflag:s0] =	ssyncadd.remote.s32 $0x1  }
0xcc: {  	_ =	sfence.sel $0xFFFF  }
0xcd: {  	[dreg:$0x0] =	wrdreg $0xFFFFFFFF;
	(pc) =	sbr.abs _section_cstart, $3  }
0xce: {  	[dreg:$0x1] =	wrdreg $0xFFFFFFFF  }
0xcf: {  	_ =	task.clear_ibuf [dreg:s22], $0x2FFFF;
	_ =	strace $0x9FFFFFFF  }
0xd0: {  	(tm) =	ssettm $0x7FFFFFFF  }
0xd1: {  	_ =	shalt  }
tec
execute0_lowered:
.L_overlay_start_1:
0x0: {  	(tag) =	ssettag $0x1  }
0x1: {  	v0 =	vimm.s32 $0xEDCBA987;
	v1 =	vimm.s32 $0x65432100  }
0x2: {  	s6 =	rddreg [dreg:$0x0];
	v2 =	vimm.f32 $1.000000010e-01;
	v3 =	vimm.s32 $0xDCBA9876;
	v4 =	vimm.s32 $0xE40000  }
0x3: {  	s0 =	rddreg [dreg:$0x1];
	s1 =	simm.s32 $0x0;
	v5 =	vimm.s32 $0x32100000;
	v6 =	vimm.s32 $0xBA987654;
	v7 =	vimm.s32 $0x87654321  }
0x4: {  	s3 =	srdreg.scid;
	v8 =	vimm.s32 $0x7060504;
	v0 =	vunpack.c.l.s4.s8 v0;
	[smem:$0x7FF] =	sst s1;
	v1 =	vunpack.c.l.s4.s8 v1  }
0x5: {  	s2 =	stileid.u32;
	s13 =	simm.s32 $0x400;
	v3 =	vunpack.c.l.s4.s8 v3;
	v4 =	vunpack.c.l.s2.s4 v4;
	v5 =	vunpack.c.l.s4.s8 v5;
	_ =	strace $0x8000004A  }
0x6: {  	s14 =	simm.s32 $0x800;
	s15 =	simm.s32 $0xC00;
	s16 =	simm.s32 $0x1000;
	v0 =	vunpack.c.0.s8.s32 v0;
	(erf) = vrcp.f32 v2;
	v2 =	vimm.s32 $0x54321000  }
0x7: {  	s17 =	simm.s32 $0x1400;
	s18 =	simm.s32 $0x1;
	s19 =	simm.s32 $0x1800;
	v6 =	vunpack.c.l.s4.s8 v6;
	v1 =	vunpack.c.0.s8.s32 v1;
	v2 =	vunpack.c.l.s4.s8 v2  }
0x8: {  	s20 =	simm.s32 $0x2;
	s21 =	simm.s32 $0x3;
	s22 =	simm.s32 $0x0;
	v7 =	vunpack.c.l.s4.s8 v7;
	v3 =	vunpack.c.0.s8.s32 v3;
	v0 =	vand.u32 $0xF, v0  }
0x9: {  	s28 =	simm.s32 $0x0;
	s4 =	sand.u32 $0x1, s3;
	s29 =	sshll.u32 s2, $0x1;
	v0 =	vcombine.low v1, v0;
	v1 =	vunpack.c.0.s8.s32 v2;
	v2 =	vunpack.c.l.s4.s8 v4  }
0xa: {  	s3 =	sadd.s32 $0x60A00, s6;
	s5 =	sadd.s32 $0x20A00, s6;
	s7 =	sor.u32 s4, s29;
	v4 =	vunpack.c.0.s8.s32 v5;
	v5 =	vunpack.c.0.s8.s32 v6;
	v6 =	vimm.s32 $0xFFEDCBA9  }
0xb: {  	vm0 =	vcmask $0x3F30;
	v8 =	vunpack.c.0.s8.s32 v8;
	s9 =	ssub.s32 $0x2, s4;
	s4 =	sadd.s32 $0x40A00, s6;
	s8 =	smul.u32 $0x3AA0, s7;
	v6 =	vunpack.c.l.s4.s8 v6  }
0xc: {  	s10 =	sshrl.u32 s9, $0x1;
	s30 =	sshll.u32 s7, $0xC;
	s31 =	sshll.u32 s7, $0xF;
	v7 =	vunpack.c.0.s8.s32 v7;
	v3 =	vand.u32 $0xF, v3;
	v2 =	vunpack.c.0.s8.s32 v2  }
0xd: {  	s12 =	ssub.s32 s9, s10;
	s7 =	sadd.s32 s4, s30;
	s9 =	sor.u32 $0x400, s31;
	v5 =	vand.u32 $0xF, v5;
	v1 =	vcombine.low v1, v3;
	v6 =	vunpack.c.0.s8.s32 v6  }
0xe: {  	s10 =	sor.u32 $0x800, s31;
	s11 =	sadd.s32 s8, s6;
	s6 =	sadd.s32 s3, s30;
	v9 =	vand.u32 $0x3, v2;
	v2 =	vcombine.low v4, v5;
	v5 =	vimm.f32 $-Inf  }
0xf: {  	s8 =	sadd.s32 s5, s30;
	s12 =	smax.u32 s12, $0x1;
	s11 =	sadd.s32 $0x8F600, s11;
	v3 =	vsel vm0, v8, v9;
	v6 =	vcombine.low v7, v6;
	vm0 =	vcmask $0x3F3C;
	v4 =	vpop (erf)  }
.LBB2_1:
0x10: {  	s23 =	simm.s32 $0x0;
	s24 =	simm.s32 $0x200  }
.LBB2_2:
0x11: {  	p0 =	sne.s32 s24, $0x75200;
	[tilespmem:s23+$0x1870] =	vst v5  }
0x12: {  	[tilespmem:s23+$0x1800] =	vst v5  }
0x13: {  	[tilespmem:s23+$0x1810] =	vst v5  }
.Ltmp0:
0x14: {  	[tilespmem:s23+$0x1820] =	vst v5;
	(pc) =	sbr.rel @p0 .LBB2_2-.Ltmp0, $4  }
0x15: {  	[tilespmem:s23+$0x1830] =	vst v5  }
0x16: {  	[tilespmem:s23+$0x1840] =	vst v5  }
0x17: {  	[tilespmem:s23+$0x1850] =	vst v5  }
0x18: {  	[tilespmem:s23+$0x1860] =	vst v5;
	s23 =	sshra.s32 s24, $0x2;
	s24 =	sadd.s32 $0x200, s24  }
0x19: {  	[tilespmem:s23+$0x1870] =	vst v5  }
0x1a: {  	[tilespmem:s23+$0x1800] =	vst v5  }
0x1b: {  	[tilespmem:s23+$0x1810] =	vst v5  }
0x1c: {  	[tilespmem:s23+$0x1820] =	vst v5  }
0x1d: {  	[tilespmem:s23+$0x1830] =	vst v5  }
0x1e: {  	[tilespmem:s23+$0x1840] =	vst v5  }
0x1f: {  	[tilespmem:s23+$0x1850] =	vst v5  }
0x20: {  	[tilespmem:s23+$0x1860] =	vst v5;
	s23 =	simm.s32 $0x0  }
0x21: {  	[tilespmem:s23], [sflag:$0x1] =	stream.linear.gather [hbm4b:s6+s23], $0x400, $0x38;
	[tilespmem:$0x1ED00] =	vst v63  }
0x22: {  	_ = 	snop  }
0x23: {  	[tilespmem:s13], [sflag:$0x1] =	stream.linear.gather [hbm4b:s7+s23], $0x400, $0x38;
	[tilespmem:$0x1ED00] =	vst v63  }
0x24: {  	s24 =	simm.s32 $0x0  }
0x25: {  	[tilespmem:s14], [sflag:$0x1] =	stream.linear.gather [hbm4b:s8+s23], $0x400, $0x38;
	[tilespmem:$0x1ED00] =	vst v63  }
.LBB2_4:
0x26: {  	s25 =	sshll.u32 s24, $0xB  }
0x27: {  	s25 =	sadd.s32 s9, s25  }
0x28: {  	s25 =	sshrl.u32 s25, $0x3  }
0x29: {  	s26 =	sadd.s32 s3, s25  }
0x2a: {  	[tilespmem:s15], [sflag:$0x2] =	stream.linear.gather [hbm4b:s26+s23], $0x400, $0x38;
	[tilespmem:$0x1ED00] =	vst v63  }
0x2b: {  	s31 =	sadd.s32 s4, s25  }
0x2c: {  	[tilespmem:s16], [sflag:$0x2] =	stream.linear.gather [hbm4b:s31+s23], $0x400, $0x38;
	[tilespmem:$0x1ED00] =	vst v63  }
0x2d: {  	s25 =	sadd.s32 s5, s25  }
0x2e: {  	[tilespmem:s17], [sflag:$0x2] =	stream.linear.gather [hbm4b:s25+s23], $0x400, $0x38;
	[tilespmem:$0x1ED00] =	vst v63  }
0x2f: {  	_ =	swait.ge [sflag:s18], $0x400  }
0x30: {  	[sflag:s18] =	ssyncset.done $0x0  }
0x31: {  	[sflag:s18] =	ssyncadd.s32 $0xFFFFFC00  }
0x32: {  	_ =	swait.ge [sflag:s18], $0x400  }
0x33: {  	[sflag:s18] =	ssyncset.done $0x0  }
0x34: {  	[sflag:s18] =	ssyncadd.s32 $0xFFFFFC00  }
0x35: {  	_ =	swait.ge [sflag:s18], $0x400  }
0x36: {  	[sflag:s18] =	ssyncset.done $0x0  }
0x37: {  	s26 =	simm.s32 $0x0;
	s25 =	simm.s32 $0x40;
	[sflag:s18] =	ssyncadd.s32 $0xFFFFFC00  }
.LBB2_5:
0x38: {  	p0 =	sne.s32 s25, $0xFC0;
	v7 =	vld [tilespmem:s26+$0x400];
	_ =	sdelay $0x1  }
0x39: {  	v8 =	vld [tilespmem:s26+$0x0];
	_ =	sdelay $0x2  }
0x3a: {  	v9 =	vadd.f32 $1.000000000e+01, v7;
	_ =	sdelay $0x1  }
0x3b: {  	v10 =	vadd.f32 $2.000000000e+01, v8;
	v9 =	vmul.f32 v9, v4;
	_ =	sdelay $0x1  }
0x3c: {  	v10 =	vmul.f32 v10, v4;
	v9 =	vtrunc.f32 v9  }
0x3d: {  	v9 =	vcvt.f32.s32 v9  }
0x3e: {  	v10 =	vtrunc.f32 v10  }
0x3f: {  	v10 =	vcvt.f32.s32 v10;
	vm1 =	vgt.s32 v9, $0x0  }
0x40: {  	v9 =	vnsel vm1, $0x0, v9  }
0x41: {  	vm1 =	vge.f32 v8, $-2.000000000e+01;
	vm2 =	vgt.s32 v10, $0x0;
	v9 =	vmin.u32 v9, $0x12B  }
0x42: {  	vm3 =	vge.f32 v7, $-1.000000000e+01;
	v11 =	vld [tilespmem:s26+$0x800];
	v10 =	vnsel vm2, $0x0, v10;
	v9 =	vmul.u32 $0x190, v9  }
0x43: {  	vm1 =	vmand vm1, vm3;
	vm2 =	vlt.f32 v8, $2.000000000e+01;
	v8 =	vmin.u32 v10, $0x18F  }
0x44: {  	vm1 =	vmand vm1, vm2;
	vm2 =	vlt.f32 v7, $3.000000000e+01;
	v7 =	vadd.s32 v8, v9  }
0x45: {  	vm1 =	vmand vm2, vm1;
	v7 =	vor.u32 $0x80000000, v7  }
0x46: {  	v7 =	vnsel vm1, $0x8001D4C0, v7  }
0x47: {  	(xrf1) =	vsort.ascd.msk.u32 $0xffff, v7, v11;
	_ =	sdelay $0xd  }
0x48: {  	v7, v8, _ =	vpop (xrf1)  }
0x49: {  	v7 =	vxor.u32 $0x80000000, v7  }
0x4a: {  	v10 =	vperm.xlane v8, v0;
	v9 =	vperm.xlane v7, v0;
	_ =	sdelay $0x1  }
0x4b: {  	vm1 =	veq.s32 v9, v7;
	v9 =	vmax.f32 v8, v10  }
0x4c: {  	v8 =	vsel vm1, v9, v8  }
0x4d: {  	v9 =	vperm.xlane v7, v1;
	v10 =	vperm.xlane v8, v1;
	_ =	sdelay $0x1  }
0x4e: {  	vm1 =	veq.s32 v9, v7;
	v9 =	vmax.f32 v8, v10  }
0x4f: {  	v8 =	vsel vm1, v9, v8;
	v9 =	vperm.xlane v7, v2  }
0x50: {  	v11 =	vperm.xlane v7, v6;
	v10 =	vperm.xlane v8, v2;
	_ =	sdelay $0x1  }
0x51: {  	vm2 =	vne.s32 v11, v7;
	vm1 =	veq.s32 v9, v7;
	v9 =	vmax.f32 v8, v10;
	v10 =	vld.idx.msk [tilespmem:v7+s19+$0x0], $0xffff  }
0x52: {  	v8 =	vsel vm1, v9, v8;
	vm1 =	vmor vm2, vm0  }
0x53: {  	v9 =	vperm.xlane v7, v3;
	v11 =	vperm.xlane v8, v3  }
.Ltmp1:
0x54: {  	(pc) =	sbr.rel @p0 .LBB2_5-.Ltmp1, $4  }
0x55: {  	vm2 =	veq.s32 v9, v7;
	v9 =	vmax.f32 v8, v11  }
0x56: {  	v8 =	vsel vm2, v9, v8  }
0x57: {  	v8 =	vmax.f32 v10, v8  }
0x58: {  	s26 =	sshra.s32 s25, $0x2;
	s25 =	sadd.s32 $0x40, s25;
	[tilespmem:v7+s19+$0x0] =	vst.idx.msk vm1, v8  }
0x59: {  	v7 =	vld [tilespmem:s26+$0x400];
	_ =	sdelay $0x1  }
0x5a: {  	v8 =	vld [tilespmem:s26+$0x0];
	_ =	sdelay $0x2  }
0x5b: {  	v9 =	vadd.f32 $1.000000000e+01, v7;
	_ =	sdelay $0x1  }
0x5c: {  	v10 =	vadd.f32 $2.000000000e+01, v8;
	v9 =	vmul.f32 v9, v4;
	_ =	sdelay $0x1  }
0x5d: {  	v10 =	vmul.f32 v10, v4;
	v9 =	vtrunc.f32 v9  }
0x5e: {  	v9 =	vcvt.f32.s32 v9  }
0x5f: {  	v10 =	vtrunc.f32 v10  }
0x60: {  	v10 =	vcvt.f32.s32 v10;
	vm1 =	vgt.s32 v9, $0x0  }
0x61: {  	v9 =	vnsel vm1, $0x0, v9  }
0x62: {  	vm3 =	vge.f32 v7, $-1.000000000e+01;
	vm2 =	vgt.s32 v10, $0x0;
	v9 =	vmin.u32 v9, $0x12B  }
0x63: {  	v11 =	vld [tilespmem:s26+$0x800];
	vm1 =	vge.f32 v8, $-2.000000000e+01;
	v10 =	vnsel vm2, $0x0, v10;
	v9 =	vmul.u32 $0x190, v9  }
0x64: {  	vm2 =	vlt.f32 v8, $2.000000000e+01;
	vm1 =	vmand vm1, vm3;
	v8 =	vmin.u32 v10, $0x18F  }
0x65: {  	vm1 =	vmand vm1, vm2;
	vm2 =	vlt.f32 v7, $3.000000000e+01;
	v7 =	vadd.s32 v8, v9  }
0x66: {  	vm1 =	vmand vm2, vm1;
	v7 =	vor.u32 $0x80000000, v7  }
0x67: {  	v7 =	vnsel vm1, $0x8001D4C0, v7  }
0x68: {  	(xrf1) =	vsort.ascd.msk.u32 $0xffff, v7, v11;
	_ =	sdelay $0xd  }
0x69: {  	v7, v8, _ =	vpop (xrf1)  }
0x6a: {  	v7 =	vxor.u32 $0x80000000, v7  }
0x6b: {  	v51 =	vperm.xlane v8, v0;
	v50 =	vperm.xlane v7, v0;
	_ =	sdelay $0x1  }
0x6c: {  	v52 =	vmax.f32 v8, v51;
	vm1 =	veq.s32 v50, v7  }
0x6d: {  	v8 =	vsel vm1, v52, v8  }
0x6e: {  	v53 =	vperm.xlane v7, v1;
	v54 =	vperm.xlane v8, v1;
	_ =	sdelay $0x1  }
0x6f: {  	vm1 =	veq.s32 v53, v7;
	v55 =	vmax.f32 v8, v54  }
0x70: {  	v56 =	vperm.xlane v7, v2;
	v8 =	vsel vm1, v55, v8  }
0x71: {  	v58 =	vperm.xlane v7, v6;
	v57 =	vperm.xlane v8, v2;
	_ =	sdelay $0x1  }
0x72: {  	vm2 =	vne.s32 v58, v7;
	vm1 =	veq.s32 v56, v7;
	v59 =	vmax.f32 v8, v57  }
0x73: {  	v60 =	vld.idx.msk [tilespmem:v7+s19+$0x0], $0xffff;
	v8 =	vsel vm1, v59, v8;
	vm1 =	vmor vm2, vm0  }
0x74: {  	s25 =	sshll.u32 s24, $0x1;
	v61 =	vperm.xlane v7, v3;
	v62 =	vperm.xlane v8, v3  }
0x75: {  	s25 =	smin.u32 s25, $0x1D  }
0x76: {  	s25 =	sshll.u32 s25, $0xA;
	vm2 =	veq.s32 v61, v7;
	v63 =	vmax.f32 v8, v62  }
0x77: {  	s25 =	sadd.s32 s25, s10;
	v8 =	vsel vm2, v63, v8  }
0x78: {  	s25 =	sshrl.u32 s25, $0x3;
	v8 =	vmax.f32 v60, v8  }
0x79: {  	s30 =	sadd.s32 s3, s25;
	[tilespmem:v7+s19+$0x0] =	vst.idx.msk vm1, v8  }
0x7a: {  	[tilespmem:s28], [sflag:$0x1] =	stream.linear.gather [hbm4b:s30+s28], $0x400, $0x38;
	[tilespmem:$0x1ED00] =	vst v63  }
0x7b: {  	s31 =	sadd.s32 s4, s25  }
0x7c: {  	[tilespmem:s13], [sflag:$0x1] =	stream.linear.gather [hbm4b:s31+s28], $0x400, $0x38;
	[tilespmem:$0x1ED00] =	vst v63  }
0x7d: {  	s25 =	sadd.s32 s5, s25  }
0x7e: {  	[tilespmem:s14], [sflag:$0x1] =	stream.linear.gather [hbm4b:s25+s28], $0x400, $0x38;
	[tilespmem:$0x1ED00] =	vst v63  }
0x7f: {  	_ =	swait.ge [sflag:s20], $0x400  }
0x80: {  	[sflag:s20] =	ssyncset.done $0x0  }
0x81: {  	[sflag:s20] =	ssyncadd.s32 $0xFFFFFC00  }
0x82: {  	_ =	swait.ge [sflag:s20], $0x400  }
0x83: {  	[sflag:s20] =	ssyncset.done $0x0  }
0x84: {  	[sflag:s20] =	ssyncadd.s32 $0xFFFFFC00  }
0x85: {  	_ =	swait.ge [sflag:s20], $0x400  }
0x86: {  	[sflag:s20] =	ssyncset.done $0x0  }
0x87: {  	s26 =	simm.s32 $0x0;
	s25 =	simm.s32 $0x40;
	[sflag:s20] =	ssyncadd.s32 $0xFFFFFC00  }
.LBB2_7:
0x88: {  	p0 =	sne.s32 s25, $0xFC0;
	v7 =	vld [tilespmem:s26+$0x1000];
	_ =	sdelay $0x1  }
0x89: {  	v8 =	vld [tilespmem:s26+$0xC00];
	_ =	sdelay $0x2  }
0x8a: {  	v9 =	vadd.f32 $1.000000000e+01, v7;
	_ =	sdelay $0x1  }
0x8b: {  	v10 =	vadd.f32 $2.000000000e+01, v8;
	v9 =	vmul.f32 v9, v4;
	_ =	sdelay $0x1  }
0x8c: {  	v10 =	vmul.f32 v10, v4;
	v9 =	vtrunc.f32 v9  }
0x8d: {  	v9 =	vcvt.f32.s32 v9  }
0x8e: {  	v10 =	vtrunc.f32 v10  }
0x8f: {  	v10 =	vcvt.f32.s32 v10;
	vm1 =	vgt.s32 v9, $0x0  }
0x90: {  	v9 =	vnsel vm1, $0x0, v9  }
0x91: {  	vm1 =	vge.f32 v8, $-2.000000000e+01;
	vm2 =	vgt.s32 v10, $0x0;
	v9 =	vmin.u32 v9, $0x12B  }
0x92: {  	vm3 =	vge.f32 v7, $-1.000000000e+01;
	v11 =	vld [tilespmem:s26+$0x1400];
	v10 =	vnsel vm2, $0x0, v10;
	v9 =	vmul.u32 $0x190, v9  }
0x93: {  	vm1 =	vmand vm1, vm3;
	vm2 =	vlt.f32 v8, $2.000000000e+01;
	v8 =	vmin.u32 v10, $0x18F  }
0x94: {  	vm1 =	vmand vm1, vm2;
	vm2 =	vlt.f32 v7, $3.000000000e+01;
	v7 =	vadd.s32 v8, v9  }
0x95: {  	vm1 =	vmand vm2, vm1;
	v7 =	vor.u32 $0x80000000, v7  }
0x96: {  	v7 =	vnsel vm1, $0x8001D4C0, v7  }
0x97: {  	(xrf1) =	vsort.ascd.msk.u32 $0xffff, v7, v11;
	_ =	sdelay $0xd  }
0x98: {  	v7, v8, _ =	vpop (xrf1)  }
0x99: {  	v7 =	vxor.u32 $0x80000000, v7  }
0x9a: {  	v10 =	vperm.xlane v8, v0;
	v9 =	vperm.xlane v7, v0;
	_ =	sdelay $0x1  }
0x9b: {  	vm1 =	veq.s32 v9, v7;
	v9 =	vmax.f32 v8, v10  }
0x9c: {  	v8 =	vsel vm1, v9, v8  }
0x9d: {  	v9 =	vperm.xlane v7, v1;
	v10 =	vperm.xlane v8, v1;
	_ =	sdelay $0x1  }
0x9e: {  	vm1 =	veq.s32 v9, v7;
	v9 =	vmax.f32 v8, v10  }
0x9f: {  	v8 =	vsel vm1, v9, v8;
	v9 =	vperm.xlane v7, v2  }
0xa0: {  	v11 =	vperm.xlane v7, v6;
	v10 =	vperm.xlane v8, v2;
	_ =	sdelay $0x1  }
0xa1: {  	vm2 =	vne.s32 v11, v7;
	vm1 =	veq.s32 v9, v7;
	v9 =	vmax.f32 v8, v10;
	v10 =	vld.idx.msk [tilespmem:v7+s19+$0x0], $0xffff  }
0xa2: {  	v8 =	vsel vm1, v9, v8;
	vm1 =	vmor vm2, vm0  }
0xa3: {  	v9 =	vperm.xlane v7, v3;
	v11 =	vperm.xlane v8, v3  }
.Ltmp2:
0xa4: {  	(pc) =	sbr.rel @p0 .LBB2_7-.Ltmp2, $4  }
0xa5: {  	vm2 =	veq.s32 v9, v7;
	v9 =	vmax.f32 v8, v11  }
0xa6: {  	v8 =	vsel vm2, v9, v8  }
0xa7: {  	v8 =	vmax.f32 v10, v8  }
0xa8: {  	s26 =	sshra.s32 s25, $0x2;
	s25 =	sadd.s32 $0x40, s25;
	[tilespmem:v7+s19+$0x0] =	vst.idx.msk vm1, v8  }
0xa9: {  	v7 =	vld [tilespmem:s26+$0x1000];
	_ =	sdelay $0x1  }
0xaa: {  	v8 =	vld [tilespmem:s26+$0xC00];
	_ =	sdelay $0x2  }
0xab: {  	v9 =	vadd.f32 $1.000000000e+01, v7;
	_ =	sdelay $0x1  }
0xac: {  	v10 =	vadd.f32 $2.000000000e+01, v8;
	v9 =	vmul.f32 v9, v4;
	_ =	sdelay $0x1  }
0xad: {  	v10 =	vmul.f32 v10, v4;
	v9 =	vtrunc.f32 v9  }
0xae: {  	v9 =	vcvt.f32.s32 v9  }
0xaf: {  	v10 =	vtrunc.f32 v10  }
0xb0: {  	v10 =	vcvt.f32.s32 v10;
	vm1 =	vgt.s32 v9, $0x0  }
0xb1: {  	v9 =	vnsel vm1, $0x0, v9  }
0xb2: {  	vm3 =	vge.f32 v7, $-1.000000000e+01;
	vm2 =	vgt.s32 v10, $0x0;
	v9 =	vmin.u32 v9, $0x12B  }
0xb3: {  	v11 =	vld [tilespmem:s26+$0x1400];
	vm1 =	vge.f32 v8, $-2.000000000e+01;
	v10 =	vnsel vm2, $0x0, v10;
	v9 =	vmul.u32 $0x190, v9  }
0xb4: {  	vm2 =	vlt.f32 v8, $2.000000000e+01;
	vm1 =	vmand vm1, vm3;
	v8 =	vmin.u32 v10, $0x18F  }
0xb5: {  	vm1 =	vmand vm1, vm2;
	vm2 =	vlt.f32 v7, $3.000000000e+01;
	v7 =	vadd.s32 v8, v9  }
0xb6: {  	vm1 =	vmand vm2, vm1;
	v7 =	vor.u32 $0x80000000, v7  }
0xb7: {  	v7 =	vnsel vm1, $0x8001D4C0, v7  }
0xb8: {  	(xrf1) =	vsort.ascd.msk.u32 $0xffff, v7, v11;
	_ =	sdelay $0xd  }
0xb9: {  	v7, v8, _ =	vpop (xrf1)  }
0xba: {  	v7 =	vxor.u32 $0x80000000, v7  }
0xbb: {  	v51 =	vperm.xlane v8, v0;
	v50 =	vperm.xlane v7, v0;
	_ =	sdelay $0x1  }
0xbc: {  	v52 =	vmax.f32 v8, v51;
	vm1 =	veq.s32 v50, v7  }
0xbd: {  	v8 =	vsel vm1, v52, v8  }
0xbe: {  	v53 =	vperm.xlane v7, v1;
	v54 =	vperm.xlane v8, v1;
	_ =	sdelay $0x1  }
0xbf: {  	vm1 =	veq.s32 v53, v7;
	v55 =	vmax.f32 v8, v54  }
0xc0: {  	v56 =	vperm.xlane v7, v2;
	v8 =	vsel vm1, v55, v8  }
0xc1: {  	v58 =	vperm.xlane v7, v6;
	v57 =	vperm.xlane v8, v2;
	_ =	sdelay $0x1  }
0xc2: {  	vm2 =	vne.s32 v58, v7;
	vm1 =	veq.s32 v56, v7;
	v59 =	vmax.f32 v8, v57  }
0xc3: {  	s24 =	sadd.s32 $0x1, s24;
	v60 =	vld.idx.msk [tilespmem:v7+s19+$0x0], $0xffff;
	v8 =	vsel vm1, v59, v8;
	vm1 =	vmor vm2, vm0  }
0xc4: {  	p0 =	sne.s32 s24, $0x10;
	v61 =	vperm.xlane v7, v3;
	v62 =	vperm.xlane v8, v3  }
.Ltmp3:
0xc5: {  	_ = 	snop;
	(pc) =	sbr.rel @p0 .LBB2_4-.Ltmp3, $4  }
0xc6: {  	vm2 =	veq.s32 v61, v7;
	v63 =	vmax.f32 v8, v62  }
0xc7: {  	v8 =	vsel vm2, v63, v8  }
0xc8: {  	v8 =	vmax.f32 v60, v8  }
0xc9: {  	[tilespmem:v7+s19+$0x0] =	vst.idx.msk vm1, v8  }
0xca: {  	_ =	swait.ge [sflag:s18], $0x400  }
0xcb: {  	[sflag:s18] =	ssyncset.done $0x0  }
0xcc: {  	[sflag:s18] =	ssyncadd.s32 $0xFFFFFC00  }
0xcd: {  	_ =	swait.ge [sflag:s18], $0x400  }
0xce: {  	[sflag:s18] =	ssyncset.done $0x0  }
0xcf: {  	[sflag:s18] =	ssyncadd.s32 $0xFFFFFC00  }
0xd0: {  	s22 =	sadd.s32 $0x1, s22;
	_ =	swait.ge [sflag:s18], $0x400  }
0xd1: {  	p0 =	sne.s32 s22, s12;
	[sflag:s18] =	ssyncset.done $0x0  }
.Ltmp4:
0xd2: {  	[sflag:s18] =	ssyncadd.s32 $0xFFFFFC00;
	(pc) =	sbr.rel @p0 .LBB2_1-.Ltmp4, $4  }
0xd3: {  	[hbm4b:s11+s1] =	stream.linear.scatter [tilespmem:s19], [sflag:$0x3], $0x1D500, $0x38;
	[tilespmem:$0x1ED00] =	vst v63  }
0xd4: {  	_ =	swait.ge [sflag:s21], $0x1D500  }
0xd5: {  	[sflag:s21] =	ssyncset.done $0x0  }
0xd6: {  	[sflag:s21] =	ssyncadd.s32 $0xFFFE2B00  }
0xd7: {  	_ =	sfence.sel $0x180000  }
0xd8: {  	[bflag:$0x0] =	sbarrier.arrive $0xFFFF  }
0xd9: {  	p0 =	sne.s32 s2, $0x0;
	_ =	strace $0x9000004A  }
0xda: {  	s0 =	sadd.s32 @!p0 $0x100000, s0;
	[bflag:$0x2] =	sbarrier.arrive $0xFFFF  }
0xdb: {  	[sflag:s0] =	ssyncadd.tile.s32 @!p0 $0x1;
	_ =	shalt  }
.Lfunc_end2:
_tile_overlayer_lowered:
.L_overlay_start_2:
0xdc: {  	(tag) =	ssettag $0x2  }
0xdd: {  	s0 =	rddreg [dreg:$0x0];
	s2 =	stileid.u32  }
0xde: {  	s1 =	rddreg [dreg:$0x1];
	p0 =	sne.s32 s2, $0x0  }
0xdf: {  	s3 =	rddreg [dreg:$0x2];
	[bflag:$0x3] =	sbarrier.arrive $0xFFFF;
	s2 =	simm.s32 @!p0 $0x1C03  }
0xe0: {  	[timem:s3], [sflag:s2] =	dma.local @!p0 [hbm:s0], s1  }
0xe1: {  	s0 =	simm.s32 @!p0 $0x3  }
0xe2: {  	_ =	swait.ge @!p0 [sflag:s0], s1  }
0xe3: {  	s1 =	ssub.s32 @!p0 $0x0, s1;
	[sflag:s0] =	ssyncset.done @!p0 $0x0  }
0xe4: {  	[sflag:s0] =	ssyncadd.s32 @!p0 s1  }
0xe5: {  	[bflag:$0x3] =	sbarrier.arrive $0xFFFF  }
0xe6: {  	_ =	shalt  }

</sc_bundles>
